<compile_context>
chip_gen: v7x
topology: tpu7x:2x2x1
jax: 0.10.2.dev20260603
libtpu: 0.0.44.dev20260713+nightly
codegen_flags: <defaults>
</compile_context>

<pallas_src>
import functools

import jax
import jax.numpy as jnp
from jax import lax
from jax.experimental import pallas as pl
from jax.experimental.pallas import tpu as pltpu
from jax.experimental.pallas import tpu_sc as plsc

V = 1000000
D = 64
R = 4096
C = 200
NC = 2
NS = 16
NW = NC * NS
XPW = R // NW
CA = 104
CB = C - CA
NBUF = 4
ROUNDS = XPW // NBUF

_mesh = plsc.VectorSubcoreMesh(core_axis_name="c", subcore_axis_name="s")


@functools.partial(
    pl.kernel,
    mesh=_mesh,
    out_type=jax.ShapeDtypeStruct((R, C, D), jnp.float32),
    compiler_params=pltpu.CompilerParams(use_tc_tiling_on_sc=False),
    scratch_types=[
        pltpu.VMEM((XPW, C), jnp.int32),
        pltpu.VMEM((NBUF, C, D), jnp.float32),
        pltpu.SemaphoreType.DMA((NBUF,)),
    ],
)
def _gather_kernel(x_hbm, table_hbm, out_hbm, idx_v, rows_v, gsem):
    wid = lax.axis_index("s") * NC + lax.axis_index("c")
    xbase = wid * XPW

    pltpu.sync_copy(x_hbm.at[pl.ds(xbase, XPW)], idx_v)

    def gather_descs(j, s):
        a = pltpu.make_async_copy(
            table_hbm.at[idx_v.at[j, pl.ds(0, CA)]],
            rows_v.at[s, pl.ds(0, CA)],
            gsem.at[s],
        )
        b = pltpu.make_async_copy(
            table_hbm.at[idx_v.at[j, pl.ds(CA, CB)]],
            rows_v.at[s, pl.ds(CA, CB)],
            gsem.at[s],
        )
        return a, b

    def start_gathers(j, s):
        a, b = gather_descs(j, s)
        a.start()
        b.start()

    def wait_gathers(j, s):
        a, b = gather_descs(j, s)
        a.wait()
        b.wait()

    def copy_out(j, s):
        pltpu.sync_copy(rows_v.at[s], out_hbm.at[xbase + j])

    for s in range(NBUF):
        start_gathers(s, s)

    def round_body(r, carry):
        for s in range(NBUF):
            j = r * NBUF + s
            wait_gathers(j, s)
            copy_out(j, s)
            start_gathers(j + NBUF, s)
        return carry

    lax.fori_loop(0, ROUNDS - 1, round_body, 0)

    for s in range(NBUF):
        j = (ROUNDS - 1) * NBUF + s
        wait_gathers(j, s)
        copy_out(j, s)


def kernel(x, weight):
    wp = jnp.concatenate(
        [weight, jnp.zeros((V, D), jnp.float32)], axis=1
    ).reshape(2 * V, D)
    return _gather_kernel(x.astype(jnp.int32) * 2, wp)

# --- scband reference (transcript-rebuilt; emitter-appended) ---
"""Pipeline reference for scband-vocab-sharded-embedding-19997367730521 (READ-ONLY COPY).

The authoritative reference and input builder live on the scoring server;
editing this copy changes nothing except your own understanding.
"""

import jax, jax.numpy as jnp
import numpy as np

WORLD_SIZE = 4
NUM_EMBEDDINGS = 1000000
EMBED_DIM = 64
PAD_IDX = 0


def setup_inputs(seed: int = 0) -> dict:
    key = jax.random.key(seed)
    k_idx, k_w = jax.random.split(key)
    x = jax.random.randint(k_idx, (4096, 200), 0, NUM_EMBEDDINGS, dtype=jnp.int64) if jax.config.read('jax_enable_x64') else jax.random.randint(k_idx, (4096, 200), 0, NUM_EMBEDDINGS, dtype=jnp.int32)
    weight = jax.random.normal(k_w, (NUM_EMBEDDINGS, EMBED_DIM), dtype=jnp.float32)
    # reset_parameters: pad_idx row is zeroed in the full (unsharded) table
    weight = weight.at[PAD_IDX].set(0.0)
    return {"x": x, "weight": weight}


def reference(x, weight):
    """Faithful simulation of VocabShardedEmbedding.forward across all ranks.

    The torch module, per rank r, masks indices outside its vocab slice,
    shifts them into local range, looks up its weight shard, zeroes the
    masked rows, and all-reduces (sum) across the gang. Summing the per-rank
    partial results here reproduces the post-all-reduce output exactly.
    """
    V, E = weight.shape
    shard = V // WORLD_SIZE  # sharded_num_embeddings
    out = jnp.zeros(x.shape + (E,), dtype=weight.dtype)
    for rank in range(WORLD_SIZE):
        vocab_begin = rank * shard
        vocab_end = vocab_begin + shard
        mask = (x < vocab_begin) | (x >= vocab_end)
        x_local = jnp.where(mask, 0, x - vocab_begin)
        w_shard = jax.lax.dynamic_slice_in_dim(weight, vocab_begin, shard, axis=0)
        emb = jnp.take(w_shard, x_local, axis=0)
        emb = jnp.where(mask[..., None], 0.0, emb)
        out = out + emb  # reduce(x, gang) == all-reduce sum
    return out

if __name__ == "__main__":
    import jax
    _d = setup_inputs()
    print(jax.jit(kernel)(*tuple(_d.values())))

</pallas_src>

<mosaic_0001>
#map = affine_map<(d0, d1) -> (0, 0)>
#map1 = affine_map<(d0, d1) -> (0, 0, 0)>
module attributes {stable_mosaic.version = 14 : i64} {
  func.func @_gather_kernel(%arg0: i32, %arg1: i32, %arg2: memref<4096x200xi32, #tpu.memory_space<hbm>>, %arg3: memref<2000000x64xf32, #tpu.memory_space<hbm>>, %arg4: memref<4096x200x64xf32, #tpu.memory_space<hbm>>, %arg5: memref<128x200xi32, #tpu.memory_space<vmem>>, %arg6: memref<4x200x64xf32, #tpu.memory_space<vmem>>, %arg7: memref<4x!tpu.dma_semaphore, #tpu.memory_space<semaphore_mem>>) attributes {dimension_semantics = [#tpu.dimension_semantics<core_parallel>, #tpu.dimension_semantics<subcore_parallel>], iteration_bounds = array<i64: 2, 16>, scalar_prefetch = 0 : i64, scratch_operands = 3 : i64, tpu.core_type = #tpu.core_type<sc_vector_subcore>, window_params = [{transform_indices = #map}, {transform_indices = #map}, {transform_indices = #map1}]} {
    %mul3A = arith.constant 2 : i32
    %mul3A_0 = arith.muli %arg1, %mul3A : i32
    %add3A = arith.addi %mul3A_0, %arg0 : i32
    %mul3A_1 = arith.constant 128 : i32
    %mul3A_2 = arith.muli %add3A, %mul3A_1 : i32
    "tpu.region"() ({
      %run_scoped3A_257 = tpu.sem_alloc : memref<!tpu.dma_semaphore, #tpu.memory_space<semaphore_mem>>
      %dma_start3A_258 = arith.constant 0 : i32
      %dma_start3A_259 = tpu.memref_slice %arg2[%mul3A_2, %dma_start3A_258] : memref<4096x200xi32, #tpu.memory_space<hbm>> -> memref<128x200xi32, #tpu.memory_space<hbm>>
      %dma_start3A_260 = arith.constant 0 : i32
      %dma_start3A_261 = tpu.memref_slice %arg2[%mul3A_2, %dma_start3A_260] : memref<4096x200xi32, #tpu.memory_space<hbm>> -> memref<128x200xi32, #tpu.memory_space<hbm>>
      tpu.enqueue_dma source(%dma_start3A_261 : memref<128x200xi32, #tpu.memory_space<hbm>>) target(%arg5 : memref<128x200xi32, #tpu.memory_space<vmem>>) target_semaphore(%run_scoped3A_257 : memref<!tpu.dma_semaphore, #tpu.memory_space<semaphore_mem>>)
      %dma_wait3A_262 = arith.constant 0 : i32
      %dma_wait3A_263 = tpu.memref_slice %arg2[%mul3A_2, %dma_wait3A_262] : memref<4096x200xi32, #tpu.memory_space<hbm>> -> memref<128x200xi32, #tpu.memory_space<hbm>>
      %dma_wait3A_264 = arith.constant 0 : i32
      %dma_wait3A_265 = tpu.memref_slice %arg2[%mul3A_2, %dma_wait3A_264] : memref<4096x200xi32, #tpu.memory_space<hbm>> -> memref<128x200xi32, #tpu.memory_space<hbm>>
      tpu.wait_dma2 semaphore(%run_scoped3A_257 : memref<!tpu.dma_semaphore, #tpu.memory_space<semaphore_mem>>) src(%dma_wait3A_265 : memref<128x200xi32, #tpu.memory_space<hbm>>) dst(%arg5 : memref<128x200xi32, #tpu.memory_space<vmem>>)
      tpu.yield
    }) : () -> ()
    %dma_start3A = arith.constant 0 : i32
    %dma_start3A_3 = arith.constant 0 : i32
    %dma_start3A_4 = arith.constant 0 : i32
    %dma_start3A_5 = arith.constant 0 : i32
    %dma_start3A_6 = arith.constant 0 : i32
    %dma_start3A_7 = tpu.memref_slice %arg6[%dma_start3A_3, %dma_start3A_5, %dma_start3A_6] : memref<4x200x64xf32, #tpu.memory_space<vmem>> -> memref<1x104x64xf32, #tpu.memory_space<vmem>>
    %dma_start3A_8 = tpu.memref_squeeze %dma_start3A_7 : memref<1x104x64xf32, #tpu.memory_space<vmem>> -> memref<104x64xf32, #tpu.memory_space<vmem>>
    %dma_start3A_9 = arith.constant 0 : i32
    %dma_start3A_10 = tpu.memref_slice %arg5[%dma_start3A, %dma_start3A_9] : memref<128x200xi32, #tpu.memory_space<vmem>> -> memref<1x104xi32, #tpu.memory_space<vmem>>
    %dma_start3A_11 = tpu.memref_squeeze %dma_start3A_10 : memref<1x104xi32, #tpu.memory_space<vmem>> -> memref<104xi32, #tpu.memory_space<vmem>>
    %dma_start3A_12 = arith.constant 0 : i32
    %dma_start3A_13 = arith.constant 0 : i32
    %dma_start3A_14 = tpu.memref_slice %arg3[%dma_start3A_12, %dma_start3A_13] : memref<2000000x64xf32, #tpu.memory_space<hbm>> -> memref<2000000x64xf32, #tpu.memory_space<hbm>>
    %dma_start3A_15 = tpu.memref_slice %arg7[%dma_start3A_4] : memref<4x!tpu.dma_semaphore, #tpu.memory_space<semaphore_mem>> -> memref<1x!tpu.dma_semaphore, #tpu.memory_space<semaphore_mem>>
    %dma_start3A_16 = tpu.memref_squeeze %dma_start3A_15 : memref<1x!tpu.dma_semaphore, #tpu.memory_space<semaphore_mem>> -> memref<!tpu.dma_semaphore, #tpu.memory_space<semaphore_mem>>
    tpu.enqueue_indirect_dma source(%dma_start3A_14 : memref<2000000x64xf32, #tpu.memory_space<hbm>>) target(%dma_start3A_8 : memref<104x64xf32, #tpu.memory_space<vmem>>) offsets(%dma_start3A_11 : memref<104xi32, #tpu.memory_space<vmem>>) semaphore(%dma_start3A_16 : memref<!tpu.dma_semaphore, #tpu.memory_space<semaphore_mem>>)
    %dma_start3A_17 = arith.constant 0 : i32
    %dma_start3A_18 = arith.constant 0 : i32
    %dma_start3A_19 = arith.constant 0 : i32
    %dma_start3A_20 = arith.constant 104 : i32
    %dma_start3A_21 = arith.constant 0 : i32
    %dma_start3A_22 = tpu.memref_slice %arg6[%dma_start3A_18, %dma_start3A_20, %dma_start3A_21] : memref<4x200x64xf32, #tpu.memory_space<vmem>> -> memref<1x96x64xf32, #tpu.memory_space<vmem>>
    %dma_start3A_23 = tpu.memref_squeeze %dma_start3A_22 : memref<1x96x64xf32, #tpu.memory_space<vmem>> -> memref<96x64xf32, #tpu.memory_space<vmem>>
    %dma_start3A_24 = arith.constant 104 : i32
    %dma_start3A_25 = tpu.memref_slice %arg5[%dma_start3A_17, %dma_start3A_24] : memref<128x200xi32, #tpu.memory_space<vmem>> -> memref<1x96xi32, #tpu.memory_space<vmem>>
    %dma_start3A_26 = tpu.memref_squeeze %dma_start3A_25 : memref<1x96xi32, #tpu.memory_space<vmem>> -> memref<96xi32, #tpu.memory_space<vmem>>
    %dma_start3A_27 = arith.constant 0 : i32
    %dma_start3A_28 = arith.constant 0 : i32
    %dma_start3A_29 = tpu.memref_slice %arg3[%dma_start3A_27, %dma_start3A_28] : memref<2000000x64xf32, #tpu.memory_space<hbm>> -> memref<2000000x64xf32, #tpu.memory_space<hbm>>
    %dma_start3A_30 = tpu.memref_slice %arg7[%dma_start3A_19] : memref<4x!tpu.dma_semaphore, #tpu.memory_space<semaphore_mem>> -> memref<1x!tpu.dma_semaphore, #tpu.memory_space<semaphore_mem>>
    %dma_start3A_31 = tpu.memref_squeeze %dma_start3A_30 : memref<1x!tpu.dma_semaphore, #tpu.memory_space<semaphore_mem>> -> memref<!tpu.dma_semaphore, #tpu.memory_space<semaphore_mem>>
    tpu.enqueue_indirect_dma source(%dma_start3A_29 : memref<2000000x64xf32, #tpu.memory_space<hbm>>) target(%dma_start3A_23 : memref<96x64xf32, #tpu.memory_space<vmem>>) offsets(%dma_start3A_26 : memref<96xi32, #tpu.memory_space<vmem>>) semaphore(%dma_start3A_31 : memref<!tpu.dma_semaphore, #tpu.memory_space<semaphore_mem>>)
    %dma_start3A_32 = arith.constant 1 : i32
    %dma_start3A_33 = arith.constant 1 : i32
    %dma_start3A_34 = arith.constant 1 : i32
    %dma_start3A_35 = arith.constant 0 : i32
    %dma_start3A_36 = arith.constant 0 : i32
    %dma_start3A_37 = tpu.memref_slice %arg6[%dma_start3A_33, %dma_start3A_35, %dma_start3A_36] : memref<4x200x64xf32, #tpu.memory_space<vmem>> -> memref<1x104x64xf32, #tpu.memory_space<vmem>>
    %dma_start3A_38 = tpu.memref_squeeze %dma_start3A_37 : memref<1x104x64xf32, #tpu.memory_space<vmem>> -> memref<104x64xf32, #tpu.memory_space<vmem>>
    %dma_start3A_39 = arith.constant 0 : i32
    %dma_start3A_40 = tpu.memref_slice %arg5[%dma_start3A_32, %dma_start3A_39] : memref<128x200xi32, #tpu.memory_space<vmem>> -> memref<1x104xi32, #tpu.memory_space<vmem>>
    %dma_start3A_41 = tpu.memref_squeeze %dma_start3A_40 : memref<1x104xi32, #tpu.memory_space<vmem>> -> memref<104xi32, #tpu.memory_space<vmem>>
    %dma_start3A_42 = arith.constant 0 : i32
    %dma_start3A_43 = arith.constant 0 : i32
    %dma_start3A_44 = tpu.memref_slice %arg3[%dma_start3A_42, %dma_start3A_43] : memref<2000000x64xf32, #tpu.memory_space<hbm>> -> memref<2000000x64xf32, #tpu.memory_space<hbm>>
    %dma_start3A_45 = tpu.memref_slice %arg7[%dma_start3A_34] : memref<4x!tpu.dma_semaphore, #tpu.memory_space<semaphore_mem>> -> memref<1x!tpu.dma_semaphore, #tpu.memory_space<semaphore_mem>>
    %dma_start3A_46 = tpu.memref_squeeze %dma_start3A_45 : memref<1x!tpu.dma_semaphore, #tpu.memory_space<semaphore_mem>> -> memref<!tpu.dma_semaphore, #tpu.memory_space<semaphore_mem>>
    tpu.enqueue_indirect_dma source(%dma_start3A_44 : memref<2000000x64xf32, #tpu.memory_space<hbm>>) target(%dma_start3A_38 : memref<104x64xf32, #tpu.memory_space<vmem>>) offsets(%dma_start3A_41 : memref<104xi32, #tpu.memory_space<vmem>>) semaphore(%dma_start3A_46 : memref<!tpu.dma_semaphore, #tpu.memory_space<semaphore_mem>>)
    %dma_start3A_47 = arith.constant 1 : i32
    %dma_start3A_48 = arith.constant 1 : i32
    %dma_start3A_49 = arith.constant 1 : i32
    %dma_start3A_50 = arith.constant 104 : i32
    %dma_start3A_51 = arith.constant 0 : i32
    %dma_start3A_52 = tpu.memref_slice %arg6[%dma_start3A_48, %dma_start3A_50, %dma_start3A_51] : memref<4x200x64xf32, #tpu.memory_space<vmem>> -> memref<1x96x64xf32, #tpu.memory_space<vmem>>
    %dma_start3A_53 = tpu.memref_squeeze %dma_start3A_52 : memref<1x96x64xf32, #tpu.memory_space<vmem>> -> memref<96x64xf32, #tpu.memory_space<vmem>>
    %dma_start3A_54 = arith.constant 104 : i32
    %dma_start3A_55 = tpu.memref_slice %arg5[%dma_start3A_47, %dma_start3A_54] : memref<128x200xi32, #tpu.memory_space<vmem>> -> memref<1x96xi32, #tpu.memory_space<vmem>>
    %dma_start3A_56 = tpu.memref_squeeze %dma_start3A_55 : memref<1x96xi32, #tpu.memory_space<vmem>> -> memref<96xi32, #tpu.memory_space<vmem>>
    %dma_start3A_57 = arith.constant 0 : i32
    %dma_start3A_58 = arith.constant 0 : i32
    %dma_start3A_59 = tpu.memref_slice %arg3[%dma_start3A_57, %dma_start3A_58] : memref<2000000x64xf32, #tpu.memory_space<hbm>> -> memref<2000000x64xf32, #tpu.memory_space<hbm>>
    %dma_start3A_60 = tpu.memref_slice %arg7[%dma_start3A_49] : memref<4x!tpu.dma_semaphore, #tpu.memory_space<semaphore_mem>> -> memref<1x!tpu.dma_semaphore, #tpu.memory_space<semaphore_mem>>
    %dma_start3A_61 = tpu.memref_squeeze %dma_start3A_60 : memref<1x!tpu.dma_semaphore, #tpu.memory_space<semaphore_mem>> -> memref<!tpu.dma_semaphore, #tpu.memory_space<semaphore_mem>>
    tpu.enqueue_indirect_dma source(%dma_start3A_59 : memref<2000000x64xf32, #tpu.memory_space<hbm>>) target(%dma_start3A_53 : memref<96x64xf32, #tpu.memory_space<vmem>>) offsets(%dma_start3A_56 : memref<96xi32, #tpu.memory_space<vmem>>) semaphore(%dma_start3A_61 : memref<!tpu.dma_semaphore, #tpu.memory_space<semaphore_mem>>)
    %dma_start3A_62 = arith.constant 2 : i32
    %dma_start3A_63 = arith.constant 2 : i32
    %dma_start3A_64 = arith.constant 2 : i32
    %dma_start3A_65 = arith.constant 0 : i32
    %dma_start3A_66 = arith.constant 0 : i32
    %dma_start3A_67 = tpu.memref_slice %arg6[%dma_start3A_63, %dma_start3A_65, %dma_start3A_66] : memref<4x200x64xf32, #tpu.memory_space<vmem>> -> memref<1x104x64xf32, #tpu.memory_space<vmem>>
    %dma_start3A_68 = tpu.memref_squeeze %dma_start3A_67 : memref<1x104x64xf32, #tpu.memory_space<vmem>> -> memref<104x64xf32, #tpu.memory_space<vmem>>
    %dma_start3A_69 = arith.constant 0 : i32
    %dma_start3A_70 = tpu.memref_slice %arg5[%dma_start3A_62, %dma_start3A_69] : memref<128x200xi32, #tpu.memory_space<vmem>> -> memref<1x104xi32, #tpu.memory_space<vmem>>
    %dma_start3A_71 = tpu.memref_squeeze %dma_start3A_70 : memref<1x104xi32, #tpu.memory_space<vmem>> -> memref<104xi32, #tpu.memory_space<vmem>>
    %dma_start3A_72 = arith.constant 0 : i32
    %dma_start3A_73 = arith.constant 0 : i32
    %dma_start3A_74 = tpu.memref_slice %arg3[%dma_start3A_72, %dma_start3A_73] : memref<2000000x64xf32, #tpu.memory_space<hbm>> -> memref<2000000x64xf32, #tpu.memory_space<hbm>>
    %dma_start3A_75 = tpu.memref_slice %arg7[%dma_start3A_64] : memref<4x!tpu.dma_semaphore, #tpu.memory_space<semaphore_mem>> -> memref<1x!tpu.dma_semaphore, #tpu.memory_space<semaphore_mem>>
    %dma_start3A_76 = tpu.memref_squeeze %dma_start3A_75 : memref<1x!tpu.dma_semaphore, #tpu.memory_space<semaphore_mem>> -> memref<!tpu.dma_semaphore, #tpu.memory_space<semaphore_mem>>
    tpu.enqueue_indirect_dma source(%dma_start3A_74 : memref<2000000x64xf32, #tpu.memory_space<hbm>>) target(%dma_start3A_68 : memref<104x64xf32, #tpu.memory_space<vmem>>) offsets(%dma_start3A_71 : memref<104xi32, #tpu.memory_space<vmem>>) semaphore(%dma_start3A_76 : memref<!tpu.dma_semaphore, #tpu.memory_space<semaphore_mem>>)
    %dma_start3A_77 = arith.constant 2 : i32
    %dma_start3A_78 = arith.constant 2 : i32
    %dma_start3A_79 = arith.constant 2 : i32
    %dma_start3A_80 = arith.constant 104 : i32
    %dma_start3A_81 = arith.constant 0 : i32
    %dma_start3A_82 = tpu.memref_slice %arg6[%dma_start3A_78, %dma_start3A_80, %dma_start3A_81] : memref<4x200x64xf32, #tpu.memory_space<vmem>> -> memref<1x96x64xf32, #tpu.memory_space<vmem>>
    %dma_start3A_83 = tpu.memref_squeeze %dma_start3A_82 : memref<1x96x64xf32, #tpu.memory_space<vmem>> -> memref<96x64xf32, #tpu.memory_space<vmem>>
    %dma_start3A_84 = arith.constant 104 : i32
    %dma_start3A_85 = tpu.memref_slice %arg5[%dma_start3A_77, %dma_start3A_84] : memref<128x200xi32, #tpu.memory_space<vmem>> -> memref<1x96xi32, #tpu.memory_space<vmem>>
    %dma_start3A_86 = tpu.memref_squeeze %dma_start3A_85 : memref<1x96xi32, #tpu.memory_space<vmem>> -> memref<96xi32, #tpu.memory_space<vmem>>
    %dma_start3A_87 = arith.constant 0 : i32
    %dma_start3A_88 = arith.constant 0 : i32
    %dma_start3A_89 = tpu.memref_slice %arg3[%dma_start3A_87, %dma_start3A_88] : memref<2000000x64xf32, #tpu.memory_space<hbm>> -> memref<2000000x64xf32, #tpu.memory_space<hbm>>
    %dma_start3A_90 = tpu.memref_slice %arg7[%dma_start3A_79] : memref<4x!tpu.dma_semaphore, #tpu.memory_space<semaphore_mem>> -> memref<1x!tpu.dma_semaphore, #tpu.memory_space<semaphore_mem>>
    %dma_start3A_91 = tpu.memref_squeeze %dma_start3A_90 : memref<1x!tpu.dma_semaphore, #tpu.memory_space<semaphore_mem>> -> memref<!tpu.dma_semaphore, #tpu.memory_space<semaphore_mem>>
    tpu.enqueue_indirect_dma source(%dma_start3A_89 : memref<2000000x64xf32, #tpu.memory_space<hbm>>) target(%dma_start3A_83 : memref<96x64xf32, #tpu.memory_space<vmem>>) offsets(%dma_start3A_86 : memref<96xi32, #tpu.memory_space<vmem>>) semaphore(%dma_start3A_91 : memref<!tpu.dma_semaphore, #tpu.memory_space<semaphore_mem>>)
    %dma_start3A_92 = arith.constant 3 : i32
    %dma_start3A_93 = arith.constant 3 : i32
    %dma_start3A_94 = arith.constant 3 : i32
    %dma_start3A_95 = arith.constant 0 : i32
    %dma_start3A_96 = arith.constant 0 : i32
    %dma_start3A_97 = tpu.memref_slice %arg6[%dma_start3A_93, %dma_start3A_95, %dma_start3A_96] : memref<4x200x64xf32, #tpu.memory_space<vmem>> -> memref<1x104x64xf32, #tpu.memory_space<vmem>>
    %dma_start3A_98 = tpu.memref_squeeze %dma_start3A_97 : memref<1x104x64xf32, #tpu.memory_space<vmem>> -> memref<104x64xf32, #tpu.memory_space<vmem>>
    %dma_start3A_99 = arith.constant 0 : i32
    %dma_start3A_100 = tpu.memref_slice %arg5[%dma_start3A_92, %dma_start3A_99] : memref<128x200xi32, #tpu.memory_space<vmem>> -> memref<1x104xi32, #tpu.memory_space<vmem>>
    %dma_start3A_101 = tpu.memref_squeeze %dma_start3A_100 : memref<1x104xi32, #tpu.memory_space<vmem>> -> memref<104xi32, #tpu.memory_space<vmem>>
    %dma_start3A_102 = arith.constant 0 : i32
    %dma_start3A_103 = arith.constant 0 : i32
    %dma_start3A_104 = tpu.memref_slice %arg3[%dma_start3A_102, %dma_start3A_103] : memref<2000000x64xf32, #tpu.memory_space<hbm>> -> memref<2000000x64xf32, #tpu.memory_space<hbm>>
    %dma_start3A_105 = tpu.memref_slice %arg7[%dma_start3A_94] : memref<4x!tpu.dma_semaphore, #tpu.memory_space<semaphore_mem>> -> memref<1x!tpu.dma_semaphore, #tpu.memory_space<semaphore_mem>>
    %dma_start3A_106 = tpu.memref_squeeze %dma_start3A_105 : memref<1x!tpu.dma_semaphore, #tpu.memory_space<semaphore_mem>> -> memref<!tpu.dma_semaphore, #tpu.memory_space<semaphore_mem>>
    tpu.enqueue_indirect_dma source(%dma_start3A_104 : memref<2000000x64xf32, #tpu.memory_space<hbm>>) target(%dma_start3A_98 : memref<104x64xf32, #tpu.memory_space<vmem>>) offsets(%dma_start3A_101 : memref<104xi32, #tpu.memory_space<vmem>>) semaphore(%dma_start3A_106 : memref<!tpu.dma_semaphore, #tpu.memory_space<semaphore_mem>>)
    %dma_start3A_107 = arith.constant 3 : i32
    %dma_start3A_108 = arith.constant 3 : i32
    %dma_start3A_109 = arith.constant 3 : i32
    %dma_start3A_110 = arith.constant 104 : i32
    %dma_start3A_111 = arith.constant 0 : i32
    %dma_start3A_112 = tpu.memref_slice %arg6[%dma_start3A_108, %dma_start3A_110, %dma_start3A_111] : memref<4x200x64xf32, #tpu.memory_space<vmem>> -> memref<1x96x64xf32, #tpu.memory_space<vmem>>
    %dma_start3A_113 = tpu.memref_squeeze %dma_start3A_112 : memref<1x96x64xf32, #tpu.memory_space<vmem>> -> memref<96x64xf32, #tpu.memory_space<vmem>>
    %dma_start3A_114 = arith.constant 104 : i32
    %dma_start3A_115 = tpu.memref_slice %arg5[%dma_start3A_107, %dma_start3A_114] : memref<128x200xi32, #tpu.memory_space<vmem>> -> memref<1x96xi32, #tpu.memory_space<vmem>>
    %dma_start3A_116 = tpu.memref_squeeze %dma_start3A_115 : memref<1x96xi32, #tpu.memory_space<vmem>> -> memref<96xi32, #tpu.memory_space<vmem>>
    %dma_start3A_117 = arith.constant 0 : i32
    %dma_start3A_118 = arith.constant 0 : i32
    %dma_start3A_119 = tpu.memref_slice %arg3[%dma_start3A_117, %dma_start3A_118] : memref<2000000x64xf32, #tpu.memory_space<hbm>> -> memref<2000000x64xf32, #tpu.memory_space<hbm>>
    %dma_start3A_120 = tpu.memref_slice %arg7[%dma_start3A_109] : memref<4x!tpu.dma_semaphore, #tpu.memory_space<semaphore_mem>> -> memref<1x!tpu.dma_semaphore, #tpu.memory_space<semaphore_mem>>
    %dma_start3A_121 = tpu.memref_squeeze %dma_start3A_120 : memref<1x!tpu.dma_semaphore, #tpu.memory_space<semaphore_mem>> -> memref<!tpu.dma_semaphore, #tpu.memory_space<semaphore_mem>>
    tpu.enqueue_indirect_dma source(%dma_start3A_119 : memref<2000000x64xf32, #tpu.memory_space<hbm>>) target(%dma_start3A_113 : memref<96x64xf32, #tpu.memory_space<vmem>>) offsets(%dma_start3A_116 : memref<96xi32, #tpu.memory_space<vmem>>) semaphore(%dma_start3A_121 : memref<!tpu.dma_semaphore, #tpu.memory_space<semaphore_mem>>)
    %scan3A = arith.constant 0 : i32
    %scan3A_122 = arith.constant 0 : i32
    %scan3A_123 = arith.constant 31 : i32
    %scan3A_124 = arith.addi %scan3A_122, %scan3A_123 : i32
    %scan3A_125 = arith.constant 1 : i32
    scf.for %scan3A_257 = %scan3A_122 to %scan3A_124 step %scan3A_125  : i32 {
      %mul3A_258 = arith.constant 4 : i32
      %mul3A_259 = arith.muli %scan3A_257, %mul3A_258 : i32
      %add3A_260 = arith.constant 0 : i32
      %add3A_261 = arith.addi %mul3A_259, %add3A_260 : i32
      %dma_wait3A_262 = arith.constant 0 : i32
      %dma_wait3A_263 = arith.constant 0 : i32
      %dma_wait3A_264 = arith.constant 0 : i32
      %dma_wait3A_265 = arith.constant 0 : i32
      %dma_wait3A_266 = tpu.memref_slice %arg6[%dma_wait3A_262, %dma_wait3A_264, %dma_wait3A_265] : memref<4x200x64xf32, #tpu.memory_space<vmem>> -> memref<1x104x64xf32, #tpu.memory_space<vmem>>
      %dma_wait3A_267 = tpu.memref_squeeze %dma_wait3A_266 : memref<1x104x64xf32, #tpu.memory_space<vmem>> -> memref<104x64xf32, #tpu.memory_space<vmem>>
      %dma_wait3A_268 = arith.constant 0 : i32
      %dma_wait3A_269 = tpu.memref_slice %arg5[%add3A_261, %dma_wait3A_268] : memref<128x200xi32, #tpu.memory_space<vmem>> -> memref<1x104xi32, #tpu.memory_space<vmem>>
      %dma_wait3A_270 = tpu.memref_squeeze %dma_wait3A_269 : memref<1x104xi32, #tpu.memory_space<vmem>> -> memref<104xi32, #tpu.memory_space<vmem>>
      %dma_wait3A_271 = arith.constant 0 : i32
      %dma_wait3A_272 = arith.constant 0 : i32
      %dma_wait3A_273 = tpu.memref_slice %arg3[%dma_wait3A_271, %dma_wait3A_272] : memref<2000000x64xf32, #tpu.memory_space<hbm>> -> memref<2000000x64xf32, #tpu.memory_space<hbm>>
      %dma_wait3A_274 = tpu.memref_slice %arg7[%dma_wait3A_263] : memref<4x!tpu.dma_semaphore, #tpu.memory_space<semaphore_mem>> -> memref<1x!tpu.dma_semaphore, #tpu.memory_space<semaphore_mem>>
      %dma_wait3A_275 = tpu.memref_squeeze %dma_wait3A_274 : memref<1x!tpu.dma_semaphore, #tpu.memory_space<semaphore_mem>> -> memref<!tpu.dma_semaphore, #tpu.memory_space<semaphore_mem>>
      tpu.wait_indirect_dma semaphore(%dma_wait3A_275 : memref<!tpu.dma_semaphore, #tpu.memory_space<semaphore_mem>>) src(%dma_wait3A_273 : memref<2000000x64xf32, #tpu.memory_space<hbm>>) dst(%dma_wait3A_267 : memref<104x64xf32, #tpu.memory_space<vmem>>)
      %dma_wait3A_276 = arith.constant 0 : i32
      %dma_wait3A_277 = arith.constant 0 : i32
      %dma_wait3A_278 = arith.constant 104 : i32
      %dma_wait3A_279 = arith.constant 0 : i32
      %dma_wait3A_280 = tpu.memref_slice %arg6[%dma_wait3A_276, %dma_wait3A_278, %dma_wait3A_279] : memref<4x200x64xf32, #tpu.memory_space<vmem>> -> memref<1x96x64xf32, #tpu.memory_space<vmem>>
      %dma_wait3A_281 = tpu.memref_squeeze %dma_wait3A_280 : memref<1x96x64xf32, #tpu.memory_space<vmem>> -> memref<96x64xf32, #tpu.memory_space<vmem>>
      %dma_wait3A_282 = arith.constant 104 : i32
      %dma_wait3A_283 = tpu.memref_slice %arg5[%add3A_261, %dma_wait3A_282] : memref<128x200xi32, #tpu.memory_space<vmem>> -> memref<1x96xi32, #tpu.memory_space<vmem>>
      %dma_wait3A_284 = tpu.memref_squeeze %dma_wait3A_283 : memref<1x96xi32, #tpu.memory_space<vmem>> -> memref<96xi32, #tpu.memory_space<vmem>>
      %dma_wait3A_285 = arith.constant 0 : i32
      %dma_wait3A_286 = arith.constant 0 : i32
      %dma_wait3A_287 = tpu.memref_slice %arg3[%dma_wait3A_285, %dma_wait3A_286] : memref<2000000x64xf32, #tpu.memory_space<hbm>> -> memref<2000000x64xf32, #tpu.memory_space<hbm>>
      %dma_wait3A_288 = tpu.memref_slice %arg7[%dma_wait3A_277] : memref<4x!tpu.dma_semaphore, #tpu.memory_space<semaphore_mem>> -> memref<1x!tpu.dma_semaphore, #tpu.memory_space<semaphore_mem>>
      %dma_wait3A_289 = tpu.memref_squeeze %dma_wait3A_288 : memref<1x!tpu.dma_semaphore, #tpu.memory_space<semaphore_mem>> -> memref<!tpu.dma_semaphore, #tpu.memory_space<semaphore_mem>>
      tpu.wait_indirect_dma semaphore(%dma_wait3A_289 : memref<!tpu.dma_semaphore, #tpu.memory_space<semaphore_mem>>) src(%dma_wait3A_287 : memref<2000000x64xf32, #tpu.memory_space<hbm>>) dst(%dma_wait3A_281 : memref<96x64xf32, #tpu.memory_space<vmem>>)
      %add3A_290 = arith.addi %mul3A_2, %add3A_261 : i32
      %run_scoped3A_291 = arith.constant 0 : i32
      "tpu.region"() ({
        %run_scoped3A_514 = tpu.sem_alloc : memref<!tpu.dma_semaphore, #tpu.memory_space<semaphore_mem>>
        %dma_start3A_515 = arith.constant 0 : i32
        %dma_start3A_516 = arith.constant 0 : i32
        %dma_start3A_517 = tpu.memref_slice %arg6[%run_scoped3A_291, %dma_start3A_515, %dma_start3A_516] : memref<4x200x64xf32, #tpu.memory_space<vmem>> -> memref<1x200x64xf32, #tpu.memory_space<vmem>>
        %dma_start3A_518 = tpu.memref_squeeze %dma_start3A_517 : memref<1x200x64xf32, #tpu.memory_space<vmem>> -> memref<200x64xf32, #tpu.memory_space<vmem>>
        %dma_start3A_519 = arith.constant 0 : i32
        %dma_start3A_520 = arith.constant 0 : i32
        %dma_start3A_521 = tpu.memref_slice %arg4[%add3A_290, %dma_start3A_519, %dma_start3A_520] : memref<4096x200x64xf32, #tpu.memory_space<hbm>> -> memref<1x200x64xf32, #tpu.memory_space<hbm>>
        %dma_start3A_522 = tpu.memref_squeeze %dma_start3A_521 : memref<1x200x64xf32, #tpu.memory_space<hbm>> -> memref<200x64xf32, #tpu.memory_space<hbm>>
        %dma_start3A_523 = arith.constant 0 : i32
        %dma_start3A_524 = arith.constant 0 : i32
        %dma_start3A_525 = tpu.memref_slice %arg4[%add3A_290, %dma_start3A_523, %dma_start3A_524] : memref<4096x200x64xf32, #tpu.memory_space<hbm>> -> memref<1x200x64xf32, #tpu.memory_space<hbm>>
        %dma_start3A_526 = tpu.memref_squeeze %dma_start3A_525 : memref<1x200x64xf32, #tpu.memory_space<hbm>> -> memref<200x64xf32, #tpu.memory_space<hbm>>
        %dma_start3A_527 = arith.constant 0 : i32
        %dma_start3A_528 = arith.constant 0 : i32
        %dma_start3A_529 = tpu.memref_slice %arg6[%run_scoped3A_291, %dma_start3A_527, %dma_start3A_528] : memref<4x200x64xf32, #tpu.memory_space<vmem>> -> memref<1x200x64xf32, #tpu.memory_space<vmem>>
        %dma_start3A_530 = tpu.memref_squeeze %dma_start3A_529 : memref<1x200x64xf32, #tpu.memory_space<vmem>> -> memref<200x64xf32, #tpu.memory_space<vmem>>
        tpu.enqueue_dma source(%dma_start3A_530 : memref<200x64xf32, #tpu.memory_space<vmem>>) target(%dma_start3A_526 : memref<200x64xf32, #tpu.memory_space<hbm>>) target_semaphore(%run_scoped3A_514 : memref<!tpu.dma_semaphore, #tpu.memory_space<semaphore_mem>>)
        %dma_wait3A_531 = arith.constant 0 : i32
        %dma_wait3A_532 = arith.constant 0 : i32
        %dma_wait3A_533 = tpu.memref_slice %arg6[%run_scoped3A_291, %dma_wait3A_531, %dma_wait3A_532] : memref<4x200x64xf32, #tpu.memory_space<vmem>> -> memref<1x200x64xf32, #tpu.memory_space<vmem>>
        %dma_wait3A_534 = tpu.memref_squeeze %dma_wait3A_533 : memref<1x200x64xf32, #tpu.memory_space<vmem>> -> memref<200x64xf32, #tpu.memory_space<vmem>>
        %dma_wait3A_535 = arith.constant 0 : i32
        %dma_wait3A_536 = arith.constant 0 : i32
        %dma_wait3A_537 = tpu.memref_slice %arg4[%add3A_290, %dma_wait3A_535, %dma_wait3A_536] : memref<4096x200x64xf32, #tpu.memory_space<hbm>> -> memref<1x200x64xf32, #tpu.memory_space<hbm>>
        %dma_wait3A_538 = tpu.memref_squeeze %dma_wait3A_537 : memref<1x200x64xf32, #tpu.memory_space<hbm>> -> memref<200x64xf32, #tpu.memory_space<hbm>>
        %dma_wait3A_539 = arith.constant 0 : i32
        %dma_wait3A_540 = arith.constant 0 : i32
        %dma_wait3A_541 = tpu.memref_slice %arg4[%add3A_290, %dma_wait3A_539, %dma_wait3A_540] : memref<4096x200x64xf32, #tpu.memory_space<hbm>> -> memref<1x200x64xf32, #tpu.memory_space<hbm>>
        %dma_wait3A_542 = tpu.memref_squeeze %dma_wait3A_541 : memref<1x200x64xf32, #tpu.memory_space<hbm>> -> memref<200x64xf32, #tpu.memory_space<hbm>>
        %dma_wait3A_543 = arith.constant 0 : i32
        %dma_wait3A_544 = arith.constant 0 : i32
        %dma_wait3A_545 = tpu.memref_slice %arg6[%run_scoped3A_291, %dma_wait3A_543, %dma_wait3A_544] : memref<4x200x64xf32, #tpu.memory_space<vmem>> -> memref<1x200x64xf32, #tpu.memory_space<vmem>>
        %dma_wait3A_546 = tpu.memref_squeeze %dma_wait3A_545 : memref<1x200x64xf32, #tpu.memory_space<vmem>> -> memref<200x64xf32, #tpu.memory_space<vmem>>
        tpu.wait_dma2 semaphore(%run_scoped3A_514 : memref<!tpu.dma_semaphore, #tpu.memory_space<semaphore_mem>>) src(%dma_wait3A_546 : memref<200x64xf32, #tpu.memory_space<vmem>>) dst(%dma_wait3A_542 : memref<200x64xf32, #tpu.memory_space<hbm>>)
        tpu.yield
      }) : () -> ()
      %add3A_292 = arith.constant 4 : i32
      %add3A_293 = arith.addi %add3A_261, %add3A_292 : i32
      %dma_start3A_294 = arith.constant 0 : i32
      %dma_start3A_295 = arith.constant 0 : i32
      %dma_start3A_296 = arith.constant 0 : i32
      %dma_start3A_297 = arith.constant 0 : i32
      %dma_start3A_298 = tpu.memref_slice %arg6[%dma_start3A_294, %dma_start3A_296, %dma_start3A_297] : memref<4x200x64xf32, #tpu.memory_space<vmem>> -> memref<1x104x64xf32, #tpu.memory_space<vmem>>
      %dma_start3A_299 = tpu.memref_squeeze %dma_start3A_298 : memref<1x104x64xf32, #tpu.memory_space<vmem>> -> memref<104x64xf32, #tpu.memory_space<vmem>>
      %dma_start3A_300 = arith.constant 0 : i32
      %dma_start3A_301 = tpu.memref_slice %arg5[%add3A_293, %dma_start3A_300] : memref<128x200xi32, #tpu.memory_space<vmem>> -> memref<1x104xi32, #tpu.memory_space<vmem>>
      %dma_start3A_302 = tpu.memref_squeeze %dma_start3A_301 : memref<1x104xi32, #tpu.memory_space<vmem>> -> memref<104xi32, #tpu.memory_space<vmem>>
      %dma_start3A_303 = arith.constant 0 : i32
      %dma_start3A_304 = arith.constant 0 : i32
      %dma_start3A_305 = tpu.memref_slice %arg3[%dma_start3A_303, %dma_start3A_304] : memref<2000000x64xf32, #tpu.memory_space<hbm>> -> memref<2000000x64xf32, #tpu.memory_space<hbm>>
      %dma_start3A_306 = tpu.memref_slice %arg7[%dma_start3A_295] : memref<4x!tpu.dma_semaphore, #tpu.memory_space<semaphore_mem>> -> memref<1x!tpu.dma_semaphore, #tpu.memory_space<semaphore_mem>>
      %dma_start3A_307 = tpu.memref_squeeze %dma_start3A_306 : memref<1x!tpu.dma_semaphore, #tpu.memory_space<semaphore_mem>> -> memref<!tpu.dma_semaphore, #tpu.memory_space<semaphore_mem>>
      tpu.enqueue_indirect_dma source(%dma_start3A_305 : memref<2000000x64xf32, #tpu.memory_space<hbm>>) target(%dma_start3A_299 : memref<104x64xf32, #tpu.memory_space<vmem>>) offsets(%dma_start3A_302 : memref<104xi32, #tpu.memory_space<vmem>>) semaphore(%dma_start3A_307 : memref<!tpu.dma_semaphore, #tpu.memory_space<semaphore_mem>>)
      %dma_start3A_308 = arith.constant 0 : i32
      %dma_start3A_309 = arith.constant 0 : i32
      %dma_start3A_310 = arith.constant 104 : i32
      %dma_start3A_311 = arith.constant 0 : i32
      %dma_start3A_312 = tpu.memref_slice %arg6[%dma_start3A_308, %dma_start3A_310, %dma_start3A_311] : memref<4x200x64xf32, #tpu.memory_space<vmem>> -> memref<1x96x64xf32, #tpu.memory_space<vmem>>
      %dma_start3A_313 = tpu.memref_squeeze %dma_start3A_312 : memref<1x96x64xf32, #tpu.memory_space<vmem>> -> memref<96x64xf32, #tpu.memory_space<vmem>>
      %dma_start3A_314 = arith.constant 104 : i32
      %dma_start3A_315 = tpu.memref_slice %arg5[%add3A_293, %dma_start3A_314] : memref<128x200xi32, #tpu.memory_space<vmem>> -> memref<1x96xi32, #tpu.memory_space<vmem>>
      %dma_start3A_316 = tpu.memref_squeeze %dma_start3A_315 : memref<1x96xi32, #tpu.memory_space<vmem>> -> memref<96xi32, #tpu.memory_space<vmem>>
      %dma_start3A_317 = arith.constant 0 : i32
      %dma_start3A_318 = arith.constant 0 : i32
      %dma_start3A_319 = tpu.memref_slice %arg3[%dma_start3A_317, %dma_start3A_318] : memref<2000000x64xf32, #tpu.memory_space<hbm>> -> memref<2000000x64xf32, #tpu.memory_space<hbm>>
      %dma_start3A_320 = tpu.memref_slice %arg7[%dma_start3A_309] : memref<4x!tpu.dma_semaphore, #tpu.memory_space<semaphore_mem>> -> memref<1x!tpu.dma_semaphore, #tpu.memory_space<semaphore_mem>>
      %dma_start3A_321 = tpu.memref_squeeze %dma_start3A_320 : memref<1x!tpu.dma_semaphore, #tpu.memory_space<semaphore_mem>> -> memref<!tpu.dma_semaphore, #tpu.memory_space<semaphore_mem>>
      tpu.enqueue_indirect_dma source(%dma_start3A_319 : memref<2000000x64xf32, #tpu.memory_space<hbm>>) target(%dma_start3A_313 : memref<96x64xf32, #tpu.memory_space<vmem>>) offsets(%dma_start3A_316 : memref<96xi32, #tpu.memory_space<vmem>>) semaphore(%dma_start3A_321 : memref<!tpu.dma_semaphore, #tpu.memory_space<semaphore_mem>>)
      %mul3A_322 = arith.constant 4 : i32
      %mul3A_323 = arith.muli %scan3A_257, %mul3A_322 : i32
      %add3A_324 = arith.constant 1 : i32
      %add3A_325 = arith.addi %mul3A_323, %add3A_324 : i32
      %dma_wait3A_326 = arith.constant 1 : i32
      %dma_wait3A_327 = arith.constant 1 : i32
      %dma_wait3A_328 = arith.constant 0 : i32
      %dma_wait3A_329 = arith.constant 0 : i32
      %dma_wait3A_330 = tpu.memref_slice %arg6[%dma_wait3A_326, %dma_wait3A_328, %dma_wait3A_329] : memref<4x200x64xf32, #tpu.memory_space<vmem>> -> memref<1x104x64xf32, #tpu.memory_space<vmem>>
      %dma_wait3A_331 = tpu.memref_squeeze %dma_wait3A_330 : memref<1x104x64xf32, #tpu.memory_space<vmem>> -> memref<104x64xf32, #tpu.memory_space<vmem>>
      %dma_wait3A_332 = arith.constant 0 : i32
      %dma_wait3A_333 = tpu.memref_slice %arg5[%add3A_325, %dma_wait3A_332] : memref<128x200xi32, #tpu.memory_space<vmem>> -> memref<1x104xi32, #tpu.memory_space<vmem>>
      %dma_wait3A_334 = tpu.memref_squeeze %dma_wait3A_333 : memref<1x104xi32, #tpu.memory_space<vmem>> -> memref<104xi32, #tpu.memory_space<vmem>>
      %dma_wait3A_335 = arith.constant 0 : i32
      %dma_wait3A_336 = arith.constant 0 : i32
      %dma_wait3A_337 = tpu.memref_slice %arg3[%dma_wait3A_335, %dma_wait3A_336] : memref<2000000x64xf32, #tpu.memory_space<hbm>> -> memref<2000000x64xf32, #tpu.memory_space<hbm>>
      %dma_wait3A_338 = tpu.memref_slice %arg7[%dma_wait3A_327] : memref<4x!tpu.dma_semaphore, #tpu.memory_space<semaphore_mem>> -> memref<1x!tpu.dma_semaphore, #tpu.memory_space<semaphore_mem>>
      %dma_wait3A_339 = tpu.memref_squeeze %dma_wait3A_338 : memref<1x!tpu.dma_semaphore, #tpu.memory_space<semaphore_mem>> -> memref<!tpu.dma_semaphore, #tpu.memory_space<semaphore_mem>>
      tpu.wait_indirect_dma semaphore(%dma_wait3A_339 : memref<!tpu.dma_semaphore, #tpu.memory_space<semaphore_mem>>) src(%dma_wait3A_337 : memref<2000000x64xf32, #tpu.memory_space<hbm>>) dst(%dma_wait3A_331 : memref<104x64xf32, #tpu.memory_space<vmem>>)
      %dma_wait3A_340 = arith.constant 1 : i32
      %dma_wait3A_341 = arith.constant 1 : i32
      %dma_wait3A_342 = arith.constant 104 : i32
      %dma_wait3A_343 = arith.constant 0 : i32
      %dma_wait3A_344 = tpu.memref_slice %arg6[%dma_wait3A_340, %dma_wait3A_342, %dma_wait3A_343] : memref<4x200x64xf32, #tpu.memory_space<vmem>> -> memref<1x96x64xf32, #tpu.memory_space<vmem>>
      %dma_wait3A_345 = tpu.memref_squeeze %dma_wait3A_344 : memref<1x96x64xf32, #tpu.memory_space<vmem>> -> memref<96x64xf32, #tpu.memory_space<vmem>>
      %dma_wait3A_346 = arith.constant 104 : i32
      %dma_wait3A_347 = tpu.memref_slice %arg5[%add3A_325, %dma_wait3A_346] : memref<128x200xi32, #tpu.memory_space<vmem>> -> memref<1x96xi32, #tpu.memory_space<vmem>>
      %dma_wait3A_348 = tpu.memref_squeeze %dma_wait3A_347 : memref<1x96xi32, #tpu.memory_space<vmem>> -> memref<96xi32, #tpu.memory_space<vmem>>
      %dma_wait3A_349 = arith.constant 0 : i32
      %dma_wait3A_350 = arith.constant 0 : i32
      %dma_wait3A_351 = tpu.memref_slice %arg3[%dma_wait3A_349, %dma_wait3A_350] : memref<2000000x64xf32, #tpu.memory_space<hbm>> -> memref<2000000x64xf32, #tpu.memory_space<hbm>>
      %dma_wait3A_352 = tpu.memref_slice %arg7[%dma_wait3A_341] : memref<4x!tpu.dma_semaphore, #tpu.memory_space<semaphore_mem>> -> memref<1x!tpu.dma_semaphore, #tpu.memory_space<semaphore_mem>>
      %dma_wait3A_353 = tpu.memref_squeeze %dma_wait3A_352 : memref<1x!tpu.dma_semaphore, #tpu.memory_space<semaphore_mem>> -> memref<!tpu.dma_semaphore, #tpu.memory_space<semaphore_mem>>
      tpu.wait_indirect_dma semaphore(%dma_wait3A_353 : memref<!tpu.dma_semaphore, #tpu.memory_space<semaphore_mem>>) src(%dma_wait3A_351 : memref<2000000x64xf32, #tpu.memory_space<hbm>>) dst(%dma_wait3A_345 : memref<96x64xf32, #tpu.memory_space<vmem>>)
      %add3A_354 = arith.addi %mul3A_2, %add3A_325 : i32
      %run_scoped3A_355 = arith.constant 1 : i32
      "tpu.region"() ({
        %run_scoped3A_514 = tpu.sem_alloc : memref<!tpu.dma_semaphore, #tpu.memory_space<semaphore_mem>>
        %dma_start3A_515 = arith.constant 0 : i32
        %dma_start3A_516 = arith.constant 0 : i32
        %dma_start3A_517 = tpu.memref_slice %arg6[%run_scoped3A_355, %dma_start3A_515, %dma_start3A_516] : memref<4x200x64xf32, #tpu.memory_space<vmem>> -> memref<1x200x64xf32, #tpu.memory_space<vmem>>
        %dma_start3A_518 = tpu.memref_squeeze %dma_start3A_517 : memref<1x200x64xf32, #tpu.memory_space<vmem>> -> memref<200x64xf32, #tpu.memory_space<vmem>>
        %dma_start3A_519 = arith.constant 0 : i32
        %dma_start3A_520 = arith.constant 0 : i32
        %dma_start3A_521 = tpu.memref_slice %arg4[%add3A_354, %dma_start3A_519, %dma_start3A_520] : memref<4096x200x64xf32, #tpu.memory_space<hbm>> -> memref<1x200x64xf32, #tpu.memory_space<hbm>>
        %dma_start3A_522 = tpu.memref_squeeze %dma_start3A_521 : memref<1x200x64xf32, #tpu.memory_space<hbm>> -> memref<200x64xf32, #tpu.memory_space<hbm>>
        %dma_start3A_523 = arith.constant 0 : i32
        %dma_start3A_524 = arith.constant 0 : i32
        %dma_start3A_525 = tpu.memref_slice %arg4[%add3A_354, %dma_start3A_523, %dma_start3A_524] : memref<4096x200x64xf32, #tpu.memory_space<hbm>> -> memref<1x200x64xf32, #tpu.memory_space<hbm>>
        %dma_start3A_526 = tpu.memref_squeeze %dma_start3A_525 : memref<1x200x64xf32, #tpu.memory_space<hbm>> -> memref<200x64xf32, #tpu.memory_space<hbm>>
        %dma_start3A_527 = arith.constant 0 : i32
        %dma_start3A_528 = arith.constant 0 : i32
        %dma_start3A_529 = tpu.memref_slice %arg6[%run_scoped3A_355, %dma_start3A_527, %dma_start3A_528] : memref<4x200x64xf32, #tpu.memory_space<vmem>> -> memref<1x200x64xf32, #tpu.memory_space<vmem>>
        %dma_start3A_530 = tpu.memref_squeeze %dma_start3A_529 : memref<1x200x64xf32, #tpu.memory_space<vmem>> -> memref<200x64xf32, #tpu.memory_space<vmem>>
        tpu.enqueue_dma source(%dma_start3A_530 : memref<200x64xf32, #tpu.memory_space<vmem>>) target(%dma_start3A_526 : memref<200x64xf32, #tpu.memory_space<hbm>>) target_semaphore(%run_scoped3A_514 : memref<!tpu.dma_semaphore, #tpu.memory_space<semaphore_mem>>)
        %dma_wait3A_531 = arith.constant 0 : i32
        %dma_wait3A_532 = arith.constant 0 : i32
        %dma_wait3A_533 = tpu.memref_slice %arg6[%run_scoped3A_355, %dma_wait3A_531, %dma_wait3A_532] : memref<4x200x64xf32, #tpu.memory_space<vmem>> -> memref<1x200x64xf32, #tpu.memory_space<vmem>>
        %dma_wait3A_534 = tpu.memref_squeeze %dma_wait3A_533 : memref<1x200x64xf32, #tpu.memory_space<vmem>> -> memref<200x64xf32, #tpu.memory_space<vmem>>
        %dma_wait3A_535 = arith.constant 0 : i32
        %dma_wait3A_536 = arith.constant 0 : i32
        %dma_wait3A_537 = tpu.memref_slice %arg4[%add3A_354, %dma_wait3A_535, %dma_wait3A_536] : memref<4096x200x64xf32, #tpu.memory_space<hbm>> -> memref<1x200x64xf32, #tpu.memory_space<hbm>>
        %dma_wait3A_538 = tpu.memref_squeeze %dma_wait3A_537 : memref<1x200x64xf32, #tpu.memory_space<hbm>> -> memref<200x64xf32, #tpu.memory_space<hbm>>
        %dma_wait3A_539 = arith.constant 0 : i32
        %dma_wait3A_540 = arith.constant 0 : i32
        %dma_wait3A_541 = tpu.memref_slice %arg4[%add3A_354, %dma_wait3A_539, %dma_wait3A_540] : memref<4096x200x64xf32, #tpu.memory_space<hbm>> -> memref<1x200x64xf32, #tpu.memory_space<hbm>>
        %dma_wait3A_542 = tpu.memref_squeeze %dma_wait3A_541 : memref<1x200x64xf32, #tpu.memory_space<hbm>> -> memref<200x64xf32, #tpu.memory_space<hbm>>
        %dma_wait3A_543 = arith.constant 0 : i32
        %dma_wait3A_544 = arith.constant 0 : i32
        %dma_wait3A_545 = tpu.memref_slice %arg6[%run_scoped3A_355, %dma_wait3A_543, %dma_wait3A_544] : memref<4x200x64xf32, #tpu.memory_space<vmem>> -> memref<1x200x64xf32, #tpu.memory_space<vmem>>
        %dma_wait3A_546 = tpu.memref_squeeze %dma_wait3A_545 : memref<1x200x64xf32, #tpu.memory_space<vmem>> -> memref<200x64xf32, #tpu.memory_space<vmem>>
        tpu.wait_dma2 semaphore(%run_scoped3A_514 : memref<!tpu.dma_semaphore, #tpu.memory_space<semaphore_mem>>) src(%dma_wait3A_546 : memref<200x64xf32, #tpu.memory_space<vmem>>) dst(%dma_wait3A_542 : memref<200x64xf32, #tpu.memory_space<hbm>>)
        tpu.yield
      }) : () -> ()
      %add3A_356 = arith.constant 4 : i32
      %add3A_357 = arith.addi %add3A_325, %add3A_356 : i32
      %dma_start3A_358 = arith.constant 1 : i32
      %dma_start3A_359 = arith.constant 1 : i32
      %dma_start3A_360 = arith.constant 0 : i32
      %dma_start3A_361 = arith.constant 0 : i32
      %dma_start3A_362 = tpu.memref_slice %arg6[%dma_start3A_358, %dma_start3A_360, %dma_start3A_361] : memref<4x200x64xf32, #tpu.memory_space<vmem>> -> memref<1x104x64xf32, #tpu.memory_space<vmem>>
      %dma_start3A_363 = tpu.memref_squeeze %dma_start3A_362 : memref<1x104x64xf32, #tpu.memory_space<vmem>> -> memref<104x64xf32, #tpu.memory_space<vmem>>
      %dma_start3A_364 = arith.constant 0 : i32
      %dma_start3A_365 = tpu.memref_slice %arg5[%add3A_357, %dma_start3A_364] : memref<128x200xi32, #tpu.memory_space<vmem>> -> memref<1x104xi32, #tpu.memory_space<vmem>>
      %dma_start3A_366 = tpu.memref_squeeze %dma_start3A_365 : memref<1x104xi32, #tpu.memory_space<vmem>> -> memref<104xi32, #tpu.memory_space<vmem>>
      %dma_start3A_367 = arith.constant 0 : i32
      %dma_start3A_368 = arith.constant 0 : i32
      %dma_start3A_369 = tpu.memref_slice %arg3[%dma_start3A_367, %dma_start3A_368] : memref<2000000x64xf32, #tpu.memory_space<hbm>> -> memref<2000000x64xf32, #tpu.memory_space<hbm>>
      %dma_start3A_370 = tpu.memref_slice %arg7[%dma_start3A_359] : memref<4x!tpu.dma_semaphore, #tpu.memory_space<semaphore_mem>> -> memref<1x!tpu.dma_semaphore, #tpu.memory_space<semaphore_mem>>
      %dma_start3A_371 = tpu.memref_squeeze %dma_start3A_370 : memref<1x!tpu.dma_semaphore, #tpu.memory_space<semaphore_mem>> -> memref<!tpu.dma_semaphore, #tpu.memory_space<semaphore_mem>>
      tpu.enqueue_indirect_dma source(%dma_start3A_369 : memref<2000000x64xf32, #tpu.memory_space<hbm>>) target(%dma_start3A_363 : memref<104x64xf32, #tpu.memory_space<vmem>>) offsets(%dma_start3A_366 : memref<104xi32, #tpu.memory_space<vmem>>) semaphore(%dma_start3A_371 : memref<!tpu.dma_semaphore, #tpu.memory_space<semaphore_mem>>)
      %dma_start3A_372 = arith.constant 1 : i32
      %dma_start3A_373 = arith.constant 1 : i32
      %dma_start3A_374 = arith.constant 104 : i32
      %dma_start3A_375 = arith.constant 0 : i32
      %dma_start3A_376 = tpu.memref_slice %arg6[%dma_start3A_372, %dma_start3A_374, %dma_start3A_375] : memref<4x200x64xf32, #tpu.memory_space<vmem>> -> memref<1x96x64xf32, #tpu.memory_space<vmem>>
      %dma_start3A_377 = tpu.memref_squeeze %dma_start3A_376 : memref<1x96x64xf32, #tpu.memory_space<vmem>> -> memref<96x64xf32, #tpu.memory_space<vmem>>
      %dma_start3A_378 = arith.constant 104 : i32
      %dma_start3A_379 = tpu.memref_slice %arg5[%add3A_357, %dma_start3A_378] : memref<128x200xi32, #tpu.memory_space<vmem>> -> memref<1x96xi32, #tpu.memory_space<vmem>>
      %dma_start3A_380 = tpu.memref_squeeze %dma_start3A_379 : memref<1x96xi32, #tpu.memory_space<vmem>> -> memref<96xi32, #tpu.memory_space<vmem>>
      %dma_start3A_381 = arith.constant 0 : i32
      %dma_start3A_382 = arith.constant 0 : i32
      %dma_start3A_383 = tpu.memref_slice %arg3[%dma_start3A_381, %dma_start3A_382] : memref<2000000x64xf32, #tpu.memory_space<hbm>> -> memref<2000000x64xf32, #tpu.memory_space<hbm>>
      %dma_start3A_384 = tpu.memref_slice %arg7[%dma_start3A_373] : memref<4x!tpu.dma_semaphore, #tpu.memory_space<semaphore_mem>> -> memref<1x!tpu.dma_semaphore, #tpu.memory_space<semaphore_mem>>
      %dma_start3A_385 = tpu.memref_squeeze %dma_start3A_384 : memref<1x!tpu.dma_semaphore, #tpu.memory_space<semaphore_mem>> -> memref<!tpu.dma_semaphore, #tpu.memory_space<semaphore_mem>>
      tpu.enqueue_indirect_dma source(%dma_start3A_383 : memref<2000000x64xf32, #tpu.memory_space<hbm>>) target(%dma_start3A_377 : memref<96x64xf32, #tpu.memory_space<vmem>>) offsets(%dma_start3A_380 : memref<96xi32, #tpu.memory_space<vmem>>) semaphore(%dma_start3A_385 : memref<!tpu.dma_semaphore, #tpu.memory_space<semaphore_mem>>)
      %mul3A_386 = arith.constant 4 : i32
      %mul3A_387 = arith.muli %scan3A_257, %mul3A_386 : i32
      %add3A_388 = arith.constant 2 : i32
      %add3A_389 = arith.addi %mul3A_387, %add3A_388 : i32
      %dma_wait3A_390 = arith.constant 2 : i32
      %dma_wait3A_391 = arith.constant 2 : i32
      %dma_wait3A_392 = arith.constant 0 : i32
      %dma_wait3A_393 = arith.constant 0 : i32
      %dma_wait3A_394 = tpu.memref_slice %arg6[%dma_wait3A_390, %dma_wait3A_392, %dma_wait3A_393] : memref<4x200x64xf32, #tpu.memory_space<vmem>> -> memref<1x104x64xf32, #tpu.memory_space<vmem>>
      %dma_wait3A_395 = tpu.memref_squeeze %dma_wait3A_394 : memref<1x104x64xf32, #tpu.memory_space<vmem>> -> memref<104x64xf32, #tpu.memory_space<vmem>>
      %dma_wait3A_396 = arith.constant 0 : i32
      %dma_wait3A_397 = tpu.memref_slice %arg5[%add3A_389, %dma_wait3A_396] : memref<128x200xi32, #tpu.memory_space<vmem>> -> memref<1x104xi32, #tpu.memory_space<vmem>>
      %dma_wait3A_398 = tpu.memref_squeeze %dma_wait3A_397 : memref<1x104xi32, #tpu.memory_space<vmem>> -> memref<104xi32, #tpu.memory_space<vmem>>
      %dma_wait3A_399 = arith.constant 0 : i32
      %dma_wait3A_400 = arith.constant 0 : i32
      %dma_wait3A_401 = tpu.memref_slice %arg3[%dma_wait3A_399, %dma_wait3A_400] : memref<2000000x64xf32, #tpu.memory_space<hbm>> -> memref<2000000x64xf32, #tpu.memory_space<hbm>>
      %dma_wait3A_402 = tpu.memref_slice %arg7[%dma_wait3A_391] : memref<4x!tpu.dma_semaphore, #tpu.memory_space<semaphore_mem>> -> memref<1x!tpu.dma_semaphore, #tpu.memory_space<semaphore_mem>>
      %dma_wait3A_403 = tpu.memref_squeeze %dma_wait3A_402 : memref<1x!tpu.dma_semaphore, #tpu.memory_space<semaphore_mem>> -> memref<!tpu.dma_semaphore, #tpu.memory_space<semaphore_mem>>
      tpu.wait_indirect_dma semaphore(%dma_wait3A_403 : memref<!tpu.dma_semaphore, #tpu.memory_space<semaphore_mem>>) src(%dma_wait3A_401 : memref<2000000x64xf32, #tpu.memory_space<hbm>>) dst(%dma_wait3A_395 : memref<104x64xf32, #tpu.memory_space<vmem>>)
      %dma_wait3A_404 = arith.constant 2 : i32
      %dma_wait3A_405 = arith.constant 2 : i32
      %dma_wait3A_406 = arith.constant 104 : i32
      %dma_wait3A_407 = arith.constant 0 : i32
      %dma_wait3A_408 = tpu.memref_slice %arg6[%dma_wait3A_404, %dma_wait3A_406, %dma_wait3A_407] : memref<4x200x64xf32, #tpu.memory_space<vmem>> -> memref<1x96x64xf32, #tpu.memory_space<vmem>>
      %dma_wait3A_409 = tpu.memref_squeeze %dma_wait3A_408 : memref<1x96x64xf32, #tpu.memory_space<vmem>> -> memref<96x64xf32, #tpu.memory_space<vmem>>
      %dma_wait3A_410 = arith.constant 104 : i32
      %dma_wait3A_411 = tpu.memref_slice %arg5[%add3A_389, %dma_wait3A_410] : memref<128x200xi32, #tpu.memory_space<vmem>> -> memref<1x96xi32, #tpu.memory_space<vmem>>
      %dma_wait3A_412 = tpu.memref_squeeze %dma_wait3A_411 : memref<1x96xi32, #tpu.memory_space<vmem>> -> memref<96xi32, #tpu.memory_space<vmem>>
      %dma_wait3A_413 = arith.constant 0 : i32
      %dma_wait3A_414 = arith.constant 0 : i32
      %dma_wait3A_415 = tpu.memref_slice %arg3[%dma_wait3A_413, %dma_wait3A_414] : memref<2000000x64xf32, #tpu.memory_space<hbm>> -> memref<2000000x64xf32, #tpu.memory_space<hbm>>
      %dma_wait3A_416 = tpu.memref_slice %arg7[%dma_wait3A_405] : memref<4x!tpu.dma_semaphore, #tpu.memory_space<semaphore_mem>> -> memref<1x!tpu.dma_semaphore, #tpu.memory_space<semaphore_mem>>
      %dma_wait3A_417 = tpu.memref_squeeze %dma_wait3A_416 : memref<1x!tpu.dma_semaphore, #tpu.memory_space<semaphore_mem>> -> memref<!tpu.dma_semaphore, #tpu.memory_space<semaphore_mem>>
      tpu.wait_indirect_dma semaphore(%dma_wait3A_417 : memref<!tpu.dma_semaphore, #tpu.memory_space<semaphore_mem>>) src(%dma_wait3A_415 : memref<2000000x64xf32, #tpu.memory_space<hbm>>) dst(%dma_wait3A_409 : memref<96x64xf32, #tpu.memory_space<vmem>>)
      %add3A_418 = arith.addi %mul3A_2, %add3A_389 : i32
      %run_scoped3A_419 = arith.constant 2 : i32
      "tpu.region"() ({
        %run_scoped3A_514 = tpu.sem_alloc : memref<!tpu.dma_semaphore, #tpu.memory_space<semaphore_mem>>
        %dma_start3A_515 = arith.constant 0 : i32
        %dma_start3A_516 = arith.constant 0 : i32
        %dma_start3A_517 = tpu.memref_slice %arg6[%run_scoped3A_419, %dma_start3A_515, %dma_start3A_516] : memref<4x200x64xf32, #tpu.memory_space<vmem>> -> memref<1x200x64xf32, #tpu.memory_space<vmem>>
        %dma_start3A_518 = tpu.memref_squeeze %dma_start3A_517 : memref<1x200x64xf32, #tpu.memory_space<vmem>> -> memref<200x64xf32, #tpu.memory_space<vmem>>
        %dma_start3A_519 = arith.constant 0 : i32
        %dma_start3A_520 = arith.constant 0 : i32
        %dma_start3A_521 = tpu.memref_slice %arg4[%add3A_418, %dma_start3A_519, %dma_start3A_520] : memref<4096x200x64xf32, #tpu.memory_space<hbm>> -> memref<1x200x64xf32, #tpu.memory_space<hbm>>
        %dma_start3A_522 = tpu.memref_squeeze %dma_start3A_521 : memref<1x200x64xf32, #tpu.memory_space<hbm>> -> memref<200x64xf32, #tpu.memory_space<hbm>>
        %dma_start3A_523 = arith.constant 0 : i32
        %dma_start3A_524 = arith.constant 0 : i32
        %dma_start3A_525 = tpu.memref_slice %arg4[%add3A_418, %dma_start3A_523, %dma_start3A_524] : memref<4096x200x64xf32, #tpu.memory_space<hbm>> -> memref<1x200x64xf32, #tpu.memory_space<hbm>>
        %dma_start3A_526 = tpu.memref_squeeze %dma_start3A_525 : memref<1x200x64xf32, #tpu.memory_space<hbm>> -> memref<200x64xf32, #tpu.memory_space<hbm>>
        %dma_start3A_527 = arith.constant 0 : i32
        %dma_start3A_528 = arith.constant 0 : i32
        %dma_start3A_529 = tpu.memref_slice %arg6[%run_scoped3A_419, %dma_start3A_527, %dma_start3A_528] : memref<4x200x64xf32, #tpu.memory_space<vmem>> -> memref<1x200x64xf32, #tpu.memory_space<vmem>>
        %dma_start3A_530 = tpu.memref_squeeze %dma_start3A_529 : memref<1x200x64xf32, #tpu.memory_space<vmem>> -> memref<200x64xf32, #tpu.memory_space<vmem>>
        tpu.enqueue_dma source(%dma_start3A_530 : memref<200x64xf32, #tpu.memory_space<vmem>>) target(%dma_start3A_526 : memref<200x64xf32, #tpu.memory_space<hbm>>) target_semaphore(%run_scoped3A_514 : memref<!tpu.dma_semaphore, #tpu.memory_space<semaphore_mem>>)
        %dma_wait3A_531 = arith.constant 0 : i32
        %dma_wait3A_532 = arith.constant 0 : i32
        %dma_wait3A_533 = tpu.memref_slice %arg6[%run_scoped3A_419, %dma_wait3A_531, %dma_wait3A_532] : memref<4x200x64xf32, #tpu.memory_space<vmem>> -> memref<1x200x64xf32, #tpu.memory_space<vmem>>
        %dma_wait3A_534 = tpu.memref_squeeze %dma_wait3A_533 : memref<1x200x64xf32, #tpu.memory_space<vmem>> -> memref<200x64xf32, #tpu.memory_space<vmem>>
        %dma_wait3A_535 = arith.constant 0 : i32
        %dma_wait3A_536 = arith.constant 0 : i32
        %dma_wait3A_537 = tpu.memref_slice %arg4[%add3A_418, %dma_wait3A_535, %dma_wait3A_536] : memref<4096x200x64xf32, #tpu.memory_space<hbm>> -> memref<1x200x64xf32, #tpu.memory_space<hbm>>
        %dma_wait3A_538 = tpu.memref_squeeze %dma_wait3A_537 : memref<1x200x64xf32, #tpu.memory_space<hbm>> -> memref<200x64xf32, #tpu.memory_space<hbm>>
        %dma_wait3A_539 = arith.constant 0 : i32
        %dma_wait3A_540 = arith.constant 0 : i32
        %dma_wait3A_541 = tpu.memref_slice %arg4[%add3A_418, %dma_wait3A_539, %dma_wait3A_540] : memref<4096x200x64xf32, #tpu.memory_space<hbm>> -> memref<1x200x64xf32, #tpu.memory_space<hbm>>
        %dma_wait3A_542 = tpu.memref_squeeze %dma_wait3A_541 : memref<1x200x64xf32, #tpu.memory_space<hbm>> -> memref<200x64xf32, #tpu.memory_space<hbm>>
        %dma_wait3A_543 = arith.constant 0 : i32
        %dma_wait3A_544 = arith.constant 0 : i32
        %dma_wait3A_545 = tpu.memref_slice %arg6[%run_scoped3A_419, %dma_wait3A_543, %dma_wait3A_544] : memref<4x200x64xf32, #tpu.memory_space<vmem>> -> memref<1x200x64xf32, #tpu.memory_space<vmem>>
        %dma_wait3A_546 = tpu.memref_squeeze %dma_wait3A_545 : memref<1x200x64xf32, #tpu.memory_space<vmem>> -> memref<200x64xf32, #tpu.memory_space<vmem>>
        tpu.wait_dma2 semaphore(%run_scoped3A_514 : memref<!tpu.dma_semaphore, #tpu.memory_space<semaphore_mem>>) src(%dma_wait3A_546 : memref<200x64xf32, #tpu.memory_space<vmem>>) dst(%dma_wait3A_542 : memref<200x64xf32, #tpu.memory_space<hbm>>)
        tpu.yield
      }) : () -> ()
      %add3A_420 = arith.constant 4 : i32
      %add3A_421 = arith.addi %add3A_389, %add3A_420 : i32
      %dma_start3A_422 = arith.constant 2 : i32
      %dma_start3A_423 = arith.constant 2 : i32
      %dma_start3A_424 = arith.constant 0 : i32
      %dma_start3A_425 = arith.constant 0 : i32
      %dma_start3A_426 = tpu.memref_slice %arg6[%dma_start3A_422, %dma_start3A_424, %dma_start3A_425] : memref<4x200x64xf32, #tpu.memory_space<vmem>> -> memref<1x104x64xf32, #tpu.memory_space<vmem>>
      %dma_start3A_427 = tpu.memref_squeeze %dma_start3A_426 : memref<1x104x64xf32, #tpu.memory_space<vmem>> -> memref<104x64xf32, #tpu.memory_space<vmem>>
      %dma_start3A_428 = arith.constant 0 : i32
      %dma_start3A_429 = tpu.memref_slice %arg5[%add3A_421, %dma_start3A_428] : memref<128x200xi32, #tpu.memory_space<vmem>> -> memref<1x104xi32, #tpu.memory_space<vmem>>
      %dma_start3A_430 = tpu.memref_squeeze %dma_start3A_429 : memref<1x104xi32, #tpu.memory_space<vmem>> -> memref<104xi32, #tpu.memory_space<vmem>>
      %dma_start3A_431 = arith.constant 0 : i32
      %dma_start3A_432 = arith.constant 0 : i32
      %dma_start3A_433 = tpu.memref_slice %arg3[%dma_start3A_431, %dma_start3A_432] : memref<2000000x64xf32, #tpu.memory_space<hbm>> -> memref<2000000x64xf32, #tpu.memory_space<hbm>>
      %dma_start3A_434 = tpu.memref_slice %arg7[%dma_start3A_423] : memref<4x!tpu.dma_semaphore, #tpu.memory_space<semaphore_mem>> -> memref<1x!tpu.dma_semaphore, #tpu.memory_space<semaphore_mem>>
      %dma_start3A_435 = tpu.memref_squeeze %dma_start3A_434 : memref<1x!tpu.dma_semaphore, #tpu.memory_space<semaphore_mem>> -> memref<!tpu.dma_semaphore, #tpu.memory_space<semaphore_mem>>
      tpu.enqueue_indirect_dma source(%dma_start3A_433 : memref<2000000x64xf32, #tpu.memory_space<hbm>>) target(%dma_start3A_427 : memref<104x64xf32, #tpu.memory_space<vmem>>) offsets(%dma_start3A_430 : memref<104xi32, #tpu.memory_space<vmem>>) semaphore(%dma_start3A_435 : memref<!tpu.dma_semaphore, #tpu.memory_space<semaphore_mem>>)
      %dma_start3A_436 = arith.constant 2 : i32
      %dma_start3A_437 = arith.constant 2 : i32
      %dma_start3A_438 = arith.constant 104 : i32
      %dma_start3A_439 = arith.constant 0 : i32
      %dma_start3A_440 = tpu.memref_slice %arg6[%dma_start3A_436, %dma_start3A_438, %dma_start3A_439] : memref<4x200x64xf32, #tpu.memory_space<vmem>> -> memref<1x96x64xf32, #tpu.memory_space<vmem>>
      %dma_start3A_441 = tpu.memref_squeeze %dma_start3A_440 : memref<1x96x64xf32, #tpu.memory_space<vmem>> -> memref<96x64xf32, #tpu.memory_space<vmem>>
      %dma_start3A_442 = arith.constant 104 : i32
      %dma_start3A_443 = tpu.memref_slice %arg5[%add3A_421, %dma_start3A_442] : memref<128x200xi32, #tpu.memory_space<vmem>> -> memref<1x96xi32, #tpu.memory_space<vmem>>
      %dma_start3A_444 = tpu.memref_squeeze %dma_start3A_443 : memref<1x96xi32, #tpu.memory_space<vmem>> -> memref<96xi32, #tpu.memory_space<vmem>>
      %dma_start3A_445 = arith.constant 0 : i32
      %dma_start3A_446 = arith.constant 0 : i32
      %dma_start3A_447 = tpu.memref_slice %arg3[%dma_start3A_445, %dma_start3A_446] : memref<2000000x64xf32, #tpu.memory_space<hbm>> -> memref<2000000x64xf32, #tpu.memory_space<hbm>>
      %dma_start3A_448 = tpu.memref_slice %arg7[%dma_start3A_437] : memref<4x!tpu.dma_semaphore, #tpu.memory_space<semaphore_mem>> -> memref<1x!tpu.dma_semaphore, #tpu.memory_space<semaphore_mem>>
      %dma_start3A_449 = tpu.memref_squeeze %dma_start3A_448 : memref<1x!tpu.dma_semaphore, #tpu.memory_space<semaphore_mem>> -> memref<!tpu.dma_semaphore, #tpu.memory_space<semaphore_mem>>
      tpu.enqueue_indirect_dma source(%dma_start3A_447 : memref<2000000x64xf32, #tpu.memory_space<hbm>>) target(%dma_start3A_441 : memref<96x64xf32, #tpu.memory_space<vmem>>) offsets(%dma_start3A_444 : memref<96xi32, #tpu.memory_space<vmem>>) semaphore(%dma_start3A_449 : memref<!tpu.dma_semaphore, #tpu.memory_space<semaphore_mem>>)
      %mul3A_450 = arith.constant 4 : i32
      %mul3A_451 = arith.muli %scan3A_257, %mul3A_450 : i32
      %add3A_452 = arith.constant 3 : i32
      %add3A_453 = arith.addi %mul3A_451, %add3A_452 : i32
      %dma_wait3A_454 = arith.constant 3 : i32
      %dma_wait3A_455 = arith.constant 3 : i32
      %dma_wait3A_456 = arith.constant 0 : i32
      %dma_wait3A_457 = arith.constant 0 : i32
      %dma_wait3A_458 = tpu.memref_slice %arg6[%dma_wait3A_454, %dma_wait3A_456, %dma_wait3A_457] : memref<4x200x64xf32, #tpu.memory_space<vmem>> -> memref<1x104x64xf32, #tpu.memory_space<vmem>>
      %dma_wait3A_459 = tpu.memref_squeeze %dma_wait3A_458 : memref<1x104x64xf32, #tpu.memory_space<vmem>> -> memref<104x64xf32, #tpu.memory_space<vmem>>
      %dma_wait3A_460 = arith.constant 0 : i32
      %dma_wait3A_461 = tpu.memref_slice %arg5[%add3A_453, %dma_wait3A_460] : memref<128x200xi32, #tpu.memory_space<vmem>> -> memref<1x104xi32, #tpu.memory_space<vmem>>
      %dma_wait3A_462 = tpu.memref_squeeze %dma_wait3A_461 : memref<1x104xi32, #tpu.memory_space<vmem>> -> memref<104xi32, #tpu.memory_space<vmem>>
      %dma_wait3A_463 = arith.constant 0 : i32
      %dma_wait3A_464 = arith.constant 0 : i32
      %dma_wait3A_465 = tpu.memref_slice %arg3[%dma_wait3A_463, %dma_wait3A_464] : memref<2000000x64xf32, #tpu.memory_space<hbm>> -> memref<2000000x64xf32, #tpu.memory_space<hbm>>
      %dma_wait3A_466 = tpu.memref_slice %arg7[%dma_wait3A_455] : memref<4x!tpu.dma_semaphore, #tpu.memory_space<semaphore_mem>> -> memref<1x!tpu.dma_semaphore, #tpu.memory_space<semaphore_mem>>
      %dma_wait3A_467 = tpu.memref_squeeze %dma_wait3A_466 : memref<1x!tpu.dma_semaphore, #tpu.memory_space<semaphore_mem>> -> memref<!tpu.dma_semaphore, #tpu.memory_space<semaphore_mem>>
      tpu.wait_indirect_dma semaphore(%dma_wait3A_467 : memref<!tpu.dma_semaphore, #tpu.memory_space<semaphore_mem>>) src(%dma_wait3A_465 : memref<2000000x64xf32, #tpu.memory_space<hbm>>) dst(%dma_wait3A_459 : memref<104x64xf32, #tpu.memory_space<vmem>>)
      %dma_wait3A_468 = arith.constant 3 : i32
      %dma_wait3A_469 = arith.constant 3 : i32
      %dma_wait3A_470 = arith.constant 104 : i32
      %dma_wait3A_471 = arith.constant 0 : i32
      %dma_wait3A_472 = tpu.memref_slice %arg6[%dma_wait3A_468, %dma_wait3A_470, %dma_wait3A_471] : memref<4x200x64xf32, #tpu.memory_space<vmem>> -> memref<1x96x64xf32, #tpu.memory_space<vmem>>
      %dma_wait3A_473 = tpu.memref_squeeze %dma_wait3A_472 : memref<1x96x64xf32, #tpu.memory_space<vmem>> -> memref<96x64xf32, #tpu.memory_space<vmem>>
      %dma_wait3A_474 = arith.constant 104 : i32
      %dma_wait3A_475 = tpu.memref_slice %arg5[%add3A_453, %dma_wait3A_474] : memref<128x200xi32, #tpu.memory_space<vmem>> -> memref<1x96xi32, #tpu.memory_space<vmem>>
      %dma_wait3A_476 = tpu.memref_squeeze %dma_wait3A_475 : memref<1x96xi32, #tpu.memory_space<vmem>> -> memref<96xi32, #tpu.memory_space<vmem>>
      %dma_wait3A_477 = arith.constant 0 : i32
      %dma_wait3A_478 = arith.constant 0 : i32
      %dma_wait3A_479 = tpu.memref_slice %arg3[%dma_wait3A_477, %dma_wait3A_478] : memref<2000000x64xf32, #tpu.memory_space<hbm>> -> memref<2000000x64xf32, #tpu.memory_space<hbm>>
      %dma_wait3A_480 = tpu.memref_slice %arg7[%dma_wait3A_469] : memref<4x!tpu.dma_semaphore, #tpu.memory_space<semaphore_mem>> -> memref<1x!tpu.dma_semaphore, #tpu.memory_space<semaphore_mem>>
      %dma_wait3A_481 = tpu.memref_squeeze %dma_wait3A_480 : memref<1x!tpu.dma_semaphore, #tpu.memory_space<semaphore_mem>> -> memref<!tpu.dma_semaphore, #tpu.memory_space<semaphore_mem>>
      tpu.wait_indirect_dma semaphore(%dma_wait3A_481 : memref<!tpu.dma_semaphore, #tpu.memory_space<semaphore_mem>>) src(%dma_wait3A_479 : memref<2000000x64xf32, #tpu.memory_space<hbm>>) dst(%dma_wait3A_473 : memref<96x64xf32, #tpu.memory_space<vmem>>)
      %add3A_482 = arith.addi %mul3A_2, %add3A_453 : i32
      %run_scoped3A_483 = arith.constant 3 : i32
      "tpu.region"() ({
        %run_scoped3A_514 = tpu.sem_alloc : memref<!tpu.dma_semaphore, #tpu.memory_space<semaphore_mem>>
        %dma_start3A_515 = arith.constant 0 : i32
        %dma_start3A_516 = arith.constant 0 : i32
        %dma_start3A_517 = tpu.memref_slice %arg6[%run_scoped3A_483, %dma_start3A_515, %dma_start3A_516] : memref<4x200x64xf32, #tpu.memory_space<vmem>> -> memref<1x200x64xf32, #tpu.memory_space<vmem>>
        %dma_start3A_518 = tpu.memref_squeeze %dma_start3A_517 : memref<1x200x64xf32, #tpu.memory_space<vmem>> -> memref<200x64xf32, #tpu.memory_space<vmem>>
        %dma_start3A_519 = arith.constant 0 : i32
        %dma_start3A_520 = arith.constant 0 : i32
        %dma_start3A_521 = tpu.memref_slice %arg4[%add3A_482, %dma_start3A_519, %dma_start3A_520] : memref<4096x200x64xf32, #tpu.memory_space<hbm>> -> memref<1x200x64xf32, #tpu.memory_space<hbm>>
        %dma_start3A_522 = tpu.memref_squeeze %dma_start3A_521 : memref<1x200x64xf32, #tpu.memory_space<hbm>> -> memref<200x64xf32, #tpu.memory_space<hbm>>
        %dma_start3A_523 = arith.constant 0 : i32
        %dma_start3A_524 = arith.constant 0 : i32
        %dma_start3A_525 = tpu.memref_slice %arg4[%add3A_482, %dma_start3A_523, %dma_start3A_524] : memref<4096x200x64xf32, #tpu.memory_space<hbm>> -> memref<1x200x64xf32, #tpu.memory_space<hbm>>
        %dma_start3A_526 = tpu.memref_squeeze %dma_start3A_525 : memref<1x200x64xf32, #tpu.memory_space<hbm>> -> memref<200x64xf32, #tpu.memory_space<hbm>>
        %dma_start3A_527 = arith.constant 0 : i32
        %dma_start3A_528 = arith.constant 0 : i32
        %dma_start3A_529 = tpu.memref_slice %arg6[%run_scoped3A_483, %dma_start3A_527, %dma_start3A_528] : memref<4x200x64xf32, #tpu.memory_space<vmem>> -> memref<1x200x64xf32, #tpu.memory_space<vmem>>
        %dma_start3A_530 = tpu.memref_squeeze %dma_start3A_529 : memref<1x200x64xf32, #tpu.memory_space<vmem>> -> memref<200x64xf32, #tpu.memory_space<vmem>>
        tpu.enqueue_dma source(%dma_start3A_530 : memref<200x64xf32, #tpu.memory_space<vmem>>) target(%dma_start3A_526 : memref<200x64xf32, #tpu.memory_space<hbm>>) target_semaphore(%run_scoped3A_514 : memref<!tpu.dma_semaphore, #tpu.memory_space<semaphore_mem>>)
        %dma_wait3A_531 = arith.constant 0 : i32
        %dma_wait3A_532 = arith.constant 0 : i32
        %dma_wait3A_533 = tpu.memref_slice %arg6[%run_scoped3A_483, %dma_wait3A_531, %dma_wait3A_532] : memref<4x200x64xf32, #tpu.memory_space<vmem>> -> memref<1x200x64xf32, #tpu.memory_space<vmem>>
        %dma_wait3A_534 = tpu.memref_squeeze %dma_wait3A_533 : memref<1x200x64xf32, #tpu.memory_space<vmem>> -> memref<200x64xf32, #tpu.memory_space<vmem>>
        %dma_wait3A_535 = arith.constant 0 : i32
        %dma_wait3A_536 = arith.constant 0 : i32
        %dma_wait3A_537 = tpu.memref_slice %arg4[%add3A_482, %dma_wait3A_535, %dma_wait3A_536] : memref<4096x200x64xf32, #tpu.memory_space<hbm>> -> memref<1x200x64xf32, #tpu.memory_space<hbm>>
        %dma_wait3A_538 = tpu.memref_squeeze %dma_wait3A_537 : memref<1x200x64xf32, #tpu.memory_space<hbm>> -> memref<200x64xf32, #tpu.memory_space<hbm>>
        %dma_wait3A_539 = arith.constant 0 : i32
        %dma_wait3A_540 = arith.constant 0 : i32
        %dma_wait3A_541 = tpu.memref_slice %arg4[%add3A_482, %dma_wait3A_539, %dma_wait3A_540] : memref<4096x200x64xf32, #tpu.memory_space<hbm>> -> memref<1x200x64xf32, #tpu.memory_space<hbm>>
        %dma_wait3A_542 = tpu.memref_squeeze %dma_wait3A_541 : memref<1x200x64xf32, #tpu.memory_space<hbm>> -> memref<200x64xf32, #tpu.memory_space<hbm>>
        %dma_wait3A_543 = arith.constant 0 : i32
        %dma_wait3A_544 = arith.constant 0 : i32
        %dma_wait3A_545 = tpu.memref_slice %arg6[%run_scoped3A_483, %dma_wait3A_543, %dma_wait3A_544] : memref<4x200x64xf32, #tpu.memory_space<vmem>> -> memref<1x200x64xf32, #tpu.memory_space<vmem>>
        %dma_wait3A_546 = tpu.memref_squeeze %dma_wait3A_545 : memref<1x200x64xf32, #tpu.memory_space<vmem>> -> memref<200x64xf32, #tpu.memory_space<vmem>>
        tpu.wait_dma2 semaphore(%run_scoped3A_514 : memref<!tpu.dma_semaphore, #tpu.memory_space<semaphore_mem>>) src(%dma_wait3A_546 : memref<200x64xf32, #tpu.memory_space<vmem>>) dst(%dma_wait3A_542 : memref<200x64xf32, #tpu.memory_space<hbm>>)
        tpu.yield
      }) : () -> ()
      %add3A_484 = arith.constant 4 : i32
      %add3A_485 = arith.addi %add3A_453, %add3A_484 : i32
      %dma_start3A_486 = arith.constant 3 : i32
      %dma_start3A_487 = arith.constant 3 : i32
      %dma_start3A_488 = arith.constant 0 : i32
      %dma_start3A_489 = arith.constant 0 : i32
      %dma_start3A_490 = tpu.memref_slice %arg6[%dma_start3A_486, %dma_start3A_488, %dma_start3A_489] : memref<4x200x64xf32, #tpu.memory_space<vmem>> -> memref<1x104x64xf32, #tpu.memory_space<vmem>>
      %dma_start3A_491 = tpu.memref_squeeze %dma_start3A_490 : memref<1x104x64xf32, #tpu.memory_space<vmem>> -> memref<104x64xf32, #tpu.memory_space<vmem>>
      %dma_start3A_492 = arith.constant 0 : i32
      %dma_start3A_493 = tpu.memref_slice %arg5[%add3A_485, %dma_start3A_492] : memref<128x200xi32, #tpu.memory_space<vmem>> -> memref<1x104xi32, #tpu.memory_space<vmem>>
      %dma_start3A_494 = tpu.memref_squeeze %dma_start3A_493 : memref<1x104xi32, #tpu.memory_space<vmem>> -> memref<104xi32, #tpu.memory_space<vmem>>
      %dma_start3A_495 = arith.constant 0 : i32
      %dma_start3A_496 = arith.constant 0 : i32
      %dma_start3A_497 = tpu.memref_slice %arg3[%dma_start3A_495, %dma_start3A_496] : memref<2000000x64xf32, #tpu.memory_space<hbm>> -> memref<2000000x64xf32, #tpu.memory_space<hbm>>
      %dma_start3A_498 = tpu.memref_slice %arg7[%dma_start3A_487] : memref<4x!tpu.dma_semaphore, #tpu.memory_space<semaphore_mem>> -> memref<1x!tpu.dma_semaphore, #tpu.memory_space<semaphore_mem>>
      %dma_start3A_499 = tpu.memref_squeeze %dma_start3A_498 : memref<1x!tpu.dma_semaphore, #tpu.memory_space<semaphore_mem>> -> memref<!tpu.dma_semaphore, #tpu.memory_space<semaphore_mem>>
      tpu.enqueue_indirect_dma source(%dma_start3A_497 : memref<2000000x64xf32, #tpu.memory_space<hbm>>) target(%dma_start3A_491 : memref<104x64xf32, #tpu.memory_space<vmem>>) offsets(%dma_start3A_494 : memref<104xi32, #tpu.memory_space<vmem>>) semaphore(%dma_start3A_499 : memref<!tpu.dma_semaphore, #tpu.memory_space<semaphore_mem>>)
      %dma_start3A_500 = arith.constant 3 : i32
      %dma_start3A_501 = arith.constant 3 : i32
      %dma_start3A_502 = arith.constant 104 : i32
      %dma_start3A_503 = arith.constant 0 : i32
      %dma_start3A_504 = tpu.memref_slice %arg6[%dma_start3A_500, %dma_start3A_502, %dma_start3A_503] : memref<4x200x64xf32, #tpu.memory_space<vmem>> -> memref<1x96x64xf32, #tpu.memory_space<vmem>>
      %dma_start3A_505 = tpu.memref_squeeze %dma_start3A_504 : memref<1x96x64xf32, #tpu.memory_space<vmem>> -> memref<96x64xf32, #tpu.memory_space<vmem>>
      %dma_start3A_506 = arith.constant 104 : i32
      %dma_start3A_507 = tpu.memref_slice %arg5[%add3A_485, %dma_start3A_506] : memref<128x200xi32, #tpu.memory_space<vmem>> -> memref<1x96xi32, #tpu.memory_space<vmem>>
      %dma_start3A_508 = tpu.memref_squeeze %dma_start3A_507 : memref<1x96xi32, #tpu.memory_space<vmem>> -> memref<96xi32, #tpu.memory_space<vmem>>
      %dma_start3A_509 = arith.constant 0 : i32
      %dma_start3A_510 = arith.constant 0 : i32
      %dma_start3A_511 = tpu.memref_slice %arg3[%dma_start3A_509, %dma_start3A_510] : memref<2000000x64xf32, #tpu.memory_space<hbm>> -> memref<2000000x64xf32, #tpu.memory_space<hbm>>
      %dma_start3A_512 = tpu.memref_slice %arg7[%dma_start3A_501] : memref<4x!tpu.dma_semaphore, #tpu.memory_space<semaphore_mem>> -> memref<1x!tpu.dma_semaphore, #tpu.memory_space<semaphore_mem>>
      %dma_start3A_513 = tpu.memref_squeeze %dma_start3A_512 : memref<1x!tpu.dma_semaphore, #tpu.memory_space<semaphore_mem>> -> memref<!tpu.dma_semaphore, #tpu.memory_space<semaphore_mem>>
      tpu.enqueue_indirect_dma source(%dma_start3A_511 : memref<2000000x64xf32, #tpu.memory_space<hbm>>) target(%dma_start3A_505 : memref<96x64xf32, #tpu.memory_space<vmem>>) offsets(%dma_start3A_508 : memref<96xi32, #tpu.memory_space<vmem>>) semaphore(%dma_start3A_513 : memref<!tpu.dma_semaphore, #tpu.memory_space<semaphore_mem>>)
    }
    %scan3A_126 = arith.constant 31 : i32
    %dma_wait3A = arith.constant 124 : i32
    %dma_wait3A_127 = arith.constant 0 : i32
    %dma_wait3A_128 = arith.constant 0 : i32
    %dma_wait3A_129 = arith.constant 0 : i32
    %dma_wait3A_130 = arith.constant 0 : i32
    %dma_wait3A_131 = tpu.memref_slice %arg6[%dma_wait3A_127, %dma_wait3A_129, %dma_wait3A_130] : memref<4x200x64xf32, #tpu.memory_space<vmem>> -> memref<1x104x64xf32, #tpu.memory_space<vmem>>
    %dma_wait3A_132 = tpu.memref_squeeze %dma_wait3A_131 : memref<1x104x64xf32, #tpu.memory_space<vmem>> -> memref<104x64xf32, #tpu.memory_space<vmem>>
    %dma_wait3A_133 = arith.constant 0 : i32
    %dma_wait3A_134 = tpu.memref_slice %arg5[%dma_wait3A, %dma_wait3A_133] : memref<128x200xi32, #tpu.memory_space<vmem>> -> memref<1x104xi32, #tpu.memory_space<vmem>>
    %dma_wait3A_135 = tpu.memref_squeeze %dma_wait3A_134 : memref<1x104xi32, #tpu.memory_space<vmem>> -> memref<104xi32, #tpu.memory_space<vmem>>
    %dma_wait3A_136 = arith.constant 0 : i32
    %dma_wait3A_137 = arith.constant 0 : i32
    %dma_wait3A_138 = tpu.memref_slice %arg3[%dma_wait3A_136, %dma_wait3A_137] : memref<2000000x64xf32, #tpu.memory_space<hbm>> -> memref<2000000x64xf32, #tpu.memory_space<hbm>>
    %dma_wait3A_139 = tpu.memref_slice %arg7[%dma_wait3A_128] : memref<4x!tpu.dma_semaphore, #tpu.memory_space<semaphore_mem>> -> memref<1x!tpu.dma_semaphore, #tpu.memory_space<semaphore_mem>>
    %dma_wait3A_140 = tpu.memref_squeeze %dma_wait3A_139 : memref<1x!tpu.dma_semaphore, #tpu.memory_space<semaphore_mem>> -> memref<!tpu.dma_semaphore, #tpu.memory_space<semaphore_mem>>
    tpu.wait_indirect_dma semaphore(%dma_wait3A_140 : memref<!tpu.dma_semaphore, #tpu.memory_space<semaphore_mem>>) src(%dma_wait3A_138 : memref<2000000x64xf32, #tpu.memory_space<hbm>>) dst(%dma_wait3A_132 : memref<104x64xf32, #tpu.memory_space<vmem>>)
    %dma_wait3A_141 = arith.constant 124 : i32
    %dma_wait3A_142 = arith.constant 0 : i32
    %dma_wait3A_143 = arith.constant 0 : i32
    %dma_wait3A_144 = arith.constant 104 : i32
    %dma_wait3A_145 = arith.constant 0 : i32
    %dma_wait3A_146 = tpu.memref_slice %arg6[%dma_wait3A_142, %dma_wait3A_144, %dma_wait3A_145] : memref<4x200x64xf32, #tpu.memory_space<vmem>> -> memref<1x96x64xf32, #tpu.memory_space<vmem>>
    %dma_wait3A_147 = tpu.memref_squeeze %dma_wait3A_146 : memref<1x96x64xf32, #tpu.memory_space<vmem>> -> memref<96x64xf32, #tpu.memory_space<vmem>>
    %dma_wait3A_148 = arith.constant 104 : i32
    %dma_wait3A_149 = tpu.memref_slice %arg5[%dma_wait3A_141, %dma_wait3A_148] : memref<128x200xi32, #tpu.memory_space<vmem>> -> memref<1x96xi32, #tpu.memory_space<vmem>>
    %dma_wait3A_150 = tpu.memref_squeeze %dma_wait3A_149 : memref<1x96xi32, #tpu.memory_space<vmem>> -> memref<96xi32, #tpu.memory_space<vmem>>
    %dma_wait3A_151 = arith.constant 0 : i32
    %dma_wait3A_152 = arith.constant 0 : i32
    %dma_wait3A_153 = tpu.memref_slice %arg3[%dma_wait3A_151, %dma_wait3A_152] : memref<2000000x64xf32, #tpu.memory_space<hbm>> -> memref<2000000x64xf32, #tpu.memory_space<hbm>>
    %dma_wait3A_154 = tpu.memref_slice %arg7[%dma_wait3A_143] : memref<4x!tpu.dma_semaphore, #tpu.memory_space<semaphore_mem>> -> memref<1x!tpu.dma_semaphore, #tpu.memory_space<semaphore_mem>>
    %dma_wait3A_155 = tpu.memref_squeeze %dma_wait3A_154 : memref<1x!tpu.dma_semaphore, #tpu.memory_space<semaphore_mem>> -> memref<!tpu.dma_semaphore, #tpu.memory_space<semaphore_mem>>
    tpu.wait_indirect_dma semaphore(%dma_wait3A_155 : memref<!tpu.dma_semaphore, #tpu.memory_space<semaphore_mem>>) src(%dma_wait3A_153 : memref<2000000x64xf32, #tpu.memory_space<hbm>>) dst(%dma_wait3A_147 : memref<96x64xf32, #tpu.memory_space<vmem>>)
    %add3A_156 = arith.constant 124 : i32
    %add3A_157 = arith.addi %mul3A_2, %add3A_156 : i32
    %run_scoped3A = arith.constant 0 : i32
    "tpu.region"() ({
      %run_scoped3A_257 = tpu.sem_alloc : memref<!tpu.dma_semaphore, #tpu.memory_space<semaphore_mem>>
      %dma_start3A_258 = arith.constant 0 : i32
      %dma_start3A_259 = arith.constant 0 : i32
      %dma_start3A_260 = tpu.memref_slice %arg6[%run_scoped3A, %dma_start3A_258, %dma_start3A_259] : memref<4x200x64xf32, #tpu.memory_space<vmem>> -> memref<1x200x64xf32, #tpu.memory_space<vmem>>
      %dma_start3A_261 = tpu.memref_squeeze %dma_start3A_260 : memref<1x200x64xf32, #tpu.memory_space<vmem>> -> memref<200x64xf32, #tpu.memory_space<vmem>>
      %dma_start3A_262 = arith.constant 0 : i32
      %dma_start3A_263 = arith.constant 0 : i32
      %dma_start3A_264 = tpu.memref_slice %arg4[%add3A_157, %dma_start3A_262, %dma_start3A_263] : memref<4096x200x64xf32, #tpu.memory_space<hbm>> -> memref<1x200x64xf32, #tpu.memory_space<hbm>>
      %dma_start3A_265 = tpu.memref_squeeze %dma_start3A_264 : memref<1x200x64xf32, #tpu.memory_space<hbm>> -> memref<200x64xf32, #tpu.memory_space<hbm>>
      %dma_start3A_266 = arith.constant 0 : i32
      %dma_start3A_267 = arith.constant 0 : i32
      %dma_start3A_268 = tpu.memref_slice %arg4[%add3A_157, %dma_start3A_266, %dma_start3A_267] : memref<4096x200x64xf32, #tpu.memory_space<hbm>> -> memref<1x200x64xf32, #tpu.memory_space<hbm>>
      %dma_start3A_269 = tpu.memref_squeeze %dma_start3A_268 : memref<1x200x64xf32, #tpu.memory_space<hbm>> -> memref<200x64xf32, #tpu.memory_space<hbm>>
      %dma_start3A_270 = arith.constant 0 : i32
      %dma_start3A_271 = arith.constant 0 : i32
      %dma_start3A_272 = tpu.memref_slice %arg6[%run_scoped3A, %dma_start3A_270, %dma_start3A_271] : memref<4x200x64xf32, #tpu.memory_space<vmem>> -> memref<1x200x64xf32, #tpu.memory_space<vmem>>
      %dma_start3A_273 = tpu.memref_squeeze %dma_start3A_272 : memref<1x200x64xf32, #tpu.memory_space<vmem>> -> memref<200x64xf32, #tpu.memory_space<vmem>>
      tpu.enqueue_dma source(%dma_start3A_273 : memref<200x64xf32, #tpu.memory_space<vmem>>) target(%dma_start3A_269 : memref<200x64xf32, #tpu.memory_space<hbm>>) target_semaphore(%run_scoped3A_257 : memref<!tpu.dma_semaphore, #tpu.memory_space<semaphore_mem>>)
      %dma_wait3A_274 = arith.constant 0 : i32
      %dma_wait3A_275 = arith.constant 0 : i32
      %dma_wait3A_276 = tpu.memref_slice %arg6[%run_scoped3A, %dma_wait3A_274, %dma_wait3A_275] : memref<4x200x64xf32, #tpu.memory_space<vmem>> -> memref<1x200x64xf32, #tpu.memory_space<vmem>>
      %dma_wait3A_277 = tpu.memref_squeeze %dma_wait3A_276 : memref<1x200x64xf32, #tpu.memory_space<vmem>> -> memref<200x64xf32, #tpu.memory_space<vmem>>
      %dma_wait3A_278 = arith.constant 0 : i32
      %dma_wait3A_279 = arith.constant 0 : i32
      %dma_wait3A_280 = tpu.memref_slice %arg4[%add3A_157, %dma_wait3A_278, %dma_wait3A_279] : memref<4096x200x64xf32, #tpu.memory_space<hbm>> -> memref<1x200x64xf32, #tpu.memory_space<hbm>>
      %dma_wait3A_281 = tpu.memref_squeeze %dma_wait3A_280 : memref<1x200x64xf32, #tpu.memory_space<hbm>> -> memref<200x64xf32, #tpu.memory_space<hbm>>
      %dma_wait3A_282 = arith.constant 0 : i32
      %dma_wait3A_283 = arith.constant 0 : i32
      %dma_wait3A_284 = tpu.memref_slice %arg4[%add3A_157, %dma_wait3A_282, %dma_wait3A_283] : memref<4096x200x64xf32, #tpu.memory_space<hbm>> -> memref<1x200x64xf32, #tpu.memory_space<hbm>>
      %dma_wait3A_285 = tpu.memref_squeeze %dma_wait3A_284 : memref<1x200x64xf32, #tpu.memory_space<hbm>> -> memref<200x64xf32, #tpu.memory_space<hbm>>
      %dma_wait3A_286 = arith.constant 0 : i32
      %dma_wait3A_287 = arith.constant 0 : i32
      %dma_wait3A_288 = tpu.memref_slice %arg6[%run_scoped3A, %dma_wait3A_286, %dma_wait3A_287] : memref<4x200x64xf32, #tpu.memory_space<vmem>> -> memref<1x200x64xf32, #tpu.memory_space<vmem>>
      %dma_wait3A_289 = tpu.memref_squeeze %dma_wait3A_288 : memref<1x200x64xf32, #tpu.memory_space<vmem>> -> memref<200x64xf32, #tpu.memory_space<vmem>>
      tpu.wait_dma2 semaphore(%run_scoped3A_257 : memref<!tpu.dma_semaphore, #tpu.memory_space<semaphore_mem>>) src(%dma_wait3A_289 : memref<200x64xf32, #tpu.memory_space<vmem>>) dst(%dma_wait3A_285 : memref<200x64xf32, #tpu.memory_space<hbm>>)
      tpu.yield
    }) : () -> ()
    %dma_wait3A_158 = arith.constant 125 : i32
    %dma_wait3A_159 = arith.constant 1 : i32
    %dma_wait3A_160 = arith.constant 1 : i32
    %dma_wait3A_161 = arith.constant 0 : i32
    %dma_wait3A_162 = arith.constant 0 : i32
    %dma_wait3A_163 = tpu.memref_slice %arg6[%dma_wait3A_159, %dma_wait3A_161, %dma_wait3A_162] : memref<4x200x64xf32, #tpu.memory_space<vmem>> -> memref<1x104x64xf32, #tpu.memory_space<vmem>>
    %dma_wait3A_164 = tpu.memref_squeeze %dma_wait3A_163 : memref<1x104x64xf32, #tpu.memory_space<vmem>> -> memref<104x64xf32, #tpu.memory_space<vmem>>
    %dma_wait3A_165 = arith.constant 0 : i32
    %dma_wait3A_166 = tpu.memref_slice %arg5[%dma_wait3A_158, %dma_wait3A_165] : memref<128x200xi32, #tpu.memory_space<vmem>> -> memref<1x104xi32, #tpu.memory_space<vmem>>
    %dma_wait3A_167 = tpu.memref_squeeze %dma_wait3A_166 : memref<1x104xi32, #tpu.memory_space<vmem>> -> memref<104xi32, #tpu.memory_space<vmem>>
    %dma_wait3A_168 = arith.constant 0 : i32
    %dma_wait3A_169 = arith.constant 0 : i32
    %dma_wait3A_170 = tpu.memref_slice %arg3[%dma_wait3A_168, %dma_wait3A_169] : memref<2000000x64xf32, #tpu.memory_space<hbm>> -> memref<2000000x64xf32, #tpu.memory_space<hbm>>
    %dma_wait3A_171 = tpu.memref_slice %arg7[%dma_wait3A_160] : memref<4x!tpu.dma_semaphore, #tpu.memory_space<semaphore_mem>> -> memref<1x!tpu.dma_semaphore, #tpu.memory_space<semaphore_mem>>
    %dma_wait3A_172 = tpu.memref_squeeze %dma_wait3A_171 : memref<1x!tpu.dma_semaphore, #tpu.memory_space<semaphore_mem>> -> memref<!tpu.dma_semaphore, #tpu.memory_space<semaphore_mem>>
    tpu.wait_indirect_dma semaphore(%dma_wait3A_172 : memref<!tpu.dma_semaphore, #tpu.memory_space<semaphore_mem>>) src(%dma_wait3A_170 : memref<2000000x64xf32, #tpu.memory_space<hbm>>) dst(%dma_wait3A_164 : memref<104x64xf32, #tpu.memory_space<vmem>>)
    %dma_wait3A_173 = arith.constant 125 : i32
    %dma_wait3A_174 = arith.constant 1 : i32
    %dma_wait3A_175 = arith.constant 1 : i32
    %dma_wait3A_176 = arith.constant 104 : i32
    %dma_wait3A_177 = arith.constant 0 : i32
    %dma_wait3A_178 = tpu.memref_slice %arg6[%dma_wait3A_174, %dma_wait3A_176, %dma_wait3A_177] : memref<4x200x64xf32, #tpu.memory_space<vmem>> -> memref<1x96x64xf32, #tpu.memory_space<vmem>>
    %dma_wait3A_179 = tpu.memref_squeeze %dma_wait3A_178 : memref<1x96x64xf32, #tpu.memory_space<vmem>> -> memref<96x64xf32, #tpu.memory_space<vmem>>
    %dma_wait3A_180 = arith.constant 104 : i32
    %dma_wait3A_181 = tpu.memref_slice %arg5[%dma_wait3A_173, %dma_wait3A_180] : memref<128x200xi32, #tpu.memory_space<vmem>> -> memref<1x96xi32, #tpu.memory_space<vmem>>
    %dma_wait3A_182 = tpu.memref_squeeze %dma_wait3A_181 : memref<1x96xi32, #tpu.memory_space<vmem>> -> memref<96xi32, #tpu.memory_space<vmem>>
    %dma_wait3A_183 = arith.constant 0 : i32
    %dma_wait3A_184 = arith.constant 0 : i32
    %dma_wait3A_185 = tpu.memref_slice %arg3[%dma_wait3A_183, %dma_wait3A_184] : memref<2000000x64xf32, #tpu.memory_space<hbm>> -> memref<2000000x64xf32, #tpu.memory_space<hbm>>
    %dma_wait3A_186 = tpu.memref_slice %arg7[%dma_wait3A_175] : memref<4x!tpu.dma_semaphore, #tpu.memory_space<semaphore_mem>> -> memref<1x!tpu.dma_semaphore, #tpu.memory_space<semaphore_mem>>
    %dma_wait3A_187 = tpu.memref_squeeze %dma_wait3A_186 : memref<1x!tpu.dma_semaphore, #tpu.memory_space<semaphore_mem>> -> memref<!tpu.dma_semaphore, #tpu.memory_space<semaphore_mem>>
    tpu.wait_indirect_dma semaphore(%dma_wait3A_187 : memref<!tpu.dma_semaphore, #tpu.memory_space<semaphore_mem>>) src(%dma_wait3A_185 : memref<2000000x64xf32, #tpu.memory_space<hbm>>) dst(%dma_wait3A_179 : memref<96x64xf32, #tpu.memory_space<vmem>>)
    %add3A_188 = arith.constant 125 : i32
    %add3A_189 = arith.addi %mul3A_2, %add3A_188 : i32
    %run_scoped3A_190 = arith.constant 1 : i32
    "tpu.region"() ({
      %run_scoped3A_257 = tpu.sem_alloc : memref<!tpu.dma_semaphore, #tpu.memory_space<semaphore_mem>>
      %dma_start3A_258 = arith.constant 0 : i32
      %dma_start3A_259 = arith.constant 0 : i32
      %dma_start3A_260 = tpu.memref_slice %arg6[%run_scoped3A_190, %dma_start3A_258, %dma_start3A_259] : memref<4x200x64xf32, #tpu.memory_space<vmem>> -> memref<1x200x64xf32, #tpu.memory_space<vmem>>
      %dma_start3A_261 = tpu.memref_squeeze %dma_start3A_260 : memref<1x200x64xf32, #tpu.memory_space<vmem>> -> memref<200x64xf32, #tpu.memory_space<vmem>>
      %dma_start3A_262 = arith.constant 0 : i32
      %dma_start3A_263 = arith.constant 0 : i32
      %dma_start3A_264 = tpu.memref_slice %arg4[%add3A_189, %dma_start3A_262, %dma_start3A_263] : memref<4096x200x64xf32, #tpu.memory_space<hbm>> -> memref<1x200x64xf32, #tpu.memory_space<hbm>>
      %dma_start3A_265 = tpu.memref_squeeze %dma_start3A_264 : memref<1x200x64xf32, #tpu.memory_space<hbm>> -> memref<200x64xf32, #tpu.memory_space<hbm>>
      %dma_start3A_266 = arith.constant 0 : i32
      %dma_start3A_267 = arith.constant 0 : i32
      %dma_start3A_268 = tpu.memref_slice %arg4[%add3A_189, %dma_start3A_266, %dma_start3A_267] : memref<4096x200x64xf32, #tpu.memory_space<hbm>> -> memref<1x200x64xf32, #tpu.memory_space<hbm>>
      %dma_start3A_269 = tpu.memref_squeeze %dma_start3A_268 : memref<1x200x64xf32, #tpu.memory_space<hbm>> -> memref<200x64xf32, #tpu.memory_space<hbm>>
      %dma_start3A_270 = arith.constant 0 : i32
      %dma_start3A_271 = arith.constant 0 : i32
      %dma_start3A_272 = tpu.memref_slice %arg6[%run_scoped3A_190, %dma_start3A_270, %dma_start3A_271] : memref<4x200x64xf32, #tpu.memory_space<vmem>> -> memref<1x200x64xf32, #tpu.memory_space<vmem>>
      %dma_start3A_273 = tpu.memref_squeeze %dma_start3A_272 : memref<1x200x64xf32, #tpu.memory_space<vmem>> -> memref<200x64xf32, #tpu.memory_space<vmem>>
      tpu.enqueue_dma source(%dma_start3A_273 : memref<200x64xf32, #tpu.memory_space<vmem>>) target(%dma_start3A_269 : memref<200x64xf32, #tpu.memory_space<hbm>>) target_semaphore(%run_scoped3A_257 : memref<!tpu.dma_semaphore, #tpu.memory_space<semaphore_mem>>)
      %dma_wait3A_274 = arith.constant 0 : i32
      %dma_wait3A_275 = arith.constant 0 : i32
      %dma_wait3A_276 = tpu.memref_slice %arg6[%run_scoped3A_190, %dma_wait3A_274, %dma_wait3A_275] : memref<4x200x64xf32, #tpu.memory_space<vmem>> -> memref<1x200x64xf32, #tpu.memory_space<vmem>>
      %dma_wait3A_277 = tpu.memref_squeeze %dma_wait3A_276 : memref<1x200x64xf32, #tpu.memory_space<vmem>> -> memref<200x64xf32, #tpu.memory_space<vmem>>
      %dma_wait3A_278 = arith.constant 0 : i32
      %dma_wait3A_279 = arith.constant 0 : i32
      %dma_wait3A_280 = tpu.memref_slice %arg4[%add3A_189, %dma_wait3A_278, %dma_wait3A_279] : memref<4096x200x64xf32, #tpu.memory_space<hbm>> -> memref<1x200x64xf32, #tpu.memory_space<hbm>>
      %dma_wait3A_281 = tpu.memref_squeeze %dma_wait3A_280 : memref<1x200x64xf32, #tpu.memory_space<hbm>> -> memref<200x64xf32, #tpu.memory_space<hbm>>
      %dma_wait3A_282 = arith.constant 0 : i32
      %dma_wait3A_283 = arith.constant 0 : i32
      %dma_wait3A_284 = tpu.memref_slice %arg4[%add3A_189, %dma_wait3A_282, %dma_wait3A_283] : memref<4096x200x64xf32, #tpu.memory_space<hbm>> -> memref<1x200x64xf32, #tpu.memory_space<hbm>>
      %dma_wait3A_285 = tpu.memref_squeeze %dma_wait3A_284 : memref<1x200x64xf32, #tpu.memory_space<hbm>> -> memref<200x64xf32, #tpu.memory_space<hbm>>
      %dma_wait3A_286 = arith.constant 0 : i32
      %dma_wait3A_287 = arith.constant 0 : i32
      %dma_wait3A_288 = tpu.memref_slice %arg6[%run_scoped3A_190, %dma_wait3A_286, %dma_wait3A_287] : memref<4x200x64xf32, #tpu.memory_space<vmem>> -> memref<1x200x64xf32, #tpu.memory_space<vmem>>
      %dma_wait3A_289 = tpu.memref_squeeze %dma_wait3A_288 : memref<1x200x64xf32, #tpu.memory_space<vmem>> -> memref<200x64xf32, #tpu.memory_space<vmem>>
      tpu.wait_dma2 semaphore(%run_scoped3A_257 : memref<!tpu.dma_semaphore, #tpu.memory_space<semaphore_mem>>) src(%dma_wait3A_289 : memref<200x64xf32, #tpu.memory_space<vmem>>) dst(%dma_wait3A_285 : memref<200x64xf32, #tpu.memory_space<hbm>>)
      tpu.yield
    }) : () -> ()
    %dma_wait3A_191 = arith.constant 126 : i32
    %dma_wait3A_192 = arith.constant 2 : i32
    %dma_wait3A_193 = arith.constant 2 : i32
    %dma_wait3A_194 = arith.constant 0 : i32
    %dma_wait3A_195 = arith.constant 0 : i32
    %dma_wait3A_196 = tpu.memref_slice %arg6[%dma_wait3A_192, %dma_wait3A_194, %dma_wait3A_195] : memref<4x200x64xf32, #tpu.memory_space<vmem>> -> memref<1x104x64xf32, #tpu.memory_space<vmem>>
    %dma_wait3A_197 = tpu.memref_squeeze %dma_wait3A_196 : memref<1x104x64xf32, #tpu.memory_space<vmem>> -> memref<104x64xf32, #tpu.memory_space<vmem>>
    %dma_wait3A_198 = arith.constant 0 : i32
    %dma_wait3A_199 = tpu.memref_slice %arg5[%dma_wait3A_191, %dma_wait3A_198] : memref<128x200xi32, #tpu.memory_space<vmem>> -> memref<1x104xi32, #tpu.memory_space<vmem>>
    %dma_wait3A_200 = tpu.memref_squeeze %dma_wait3A_199 : memref<1x104xi32, #tpu.memory_space<vmem>> -> memref<104xi32, #tpu.memory_space<vmem>>
    %dma_wait3A_201 = arith.constant 0 : i32
    %dma_wait3A_202 = arith.constant 0 : i32
    %dma_wait3A_203 = tpu.memref_slice %arg3[%dma_wait3A_201, %dma_wait3A_202] : memref<2000000x64xf32, #tpu.memory_space<hbm>> -> memref<2000000x64xf32, #tpu.memory_space<hbm>>
    %dma_wait3A_204 = tpu.memref_slice %arg7[%dma_wait3A_193] : memref<4x!tpu.dma_semaphore, #tpu.memory_space<semaphore_mem>> -> memref<1x!tpu.dma_semaphore, #tpu.memory_space<semaphore_mem>>
    %dma_wait3A_205 = tpu.memref_squeeze %dma_wait3A_204 : memref<1x!tpu.dma_semaphore, #tpu.memory_space<semaphore_mem>> -> memref<!tpu.dma_semaphore, #tpu.memory_space<semaphore_mem>>
    tpu.wait_indirect_dma semaphore(%dma_wait3A_205 : memref<!tpu.dma_semaphore, #tpu.memory_space<semaphore_mem>>) src(%dma_wait3A_203 : memref<2000000x64xf32, #tpu.memory_space<hbm>>) dst(%dma_wait3A_197 : memref<104x64xf32, #tpu.memory_space<vmem>>)
    %dma_wait3A_206 = arith.constant 126 : i32
    %dma_wait3A_207 = arith.constant 2 : i32
    %dma_wait3A_208 = arith.constant 2 : i32
    %dma_wait3A_209 = arith.constant 104 : i32
    %dma_wait3A_210 = arith.constant 0 : i32
    %dma_wait3A_211 = tpu.memref_slice %arg6[%dma_wait3A_207, %dma_wait3A_209, %dma_wait3A_210] : memref<4x200x64xf32, #tpu.memory_space<vmem>> -> memref<1x96x64xf32, #tpu.memory_space<vmem>>
    %dma_wait3A_212 = tpu.memref_squeeze %dma_wait3A_211 : memref<1x96x64xf32, #tpu.memory_space<vmem>> -> memref<96x64xf32, #tpu.memory_space<vmem>>
    %dma_wait3A_213 = arith.constant 104 : i32
    %dma_wait3A_214 = tpu.memref_slice %arg5[%dma_wait3A_206, %dma_wait3A_213] : memref<128x200xi32, #tpu.memory_space<vmem>> -> memref<1x96xi32, #tpu.memory_space<vmem>>
    %dma_wait3A_215 = tpu.memref_squeeze %dma_wait3A_214 : memref<1x96xi32, #tpu.memory_space<vmem>> -> memref<96xi32, #tpu.memory_space<vmem>>
    %dma_wait3A_216 = arith.constant 0 : i32
    %dma_wait3A_217 = arith.constant 0 : i32
    %dma_wait3A_218 = tpu.memref_slice %arg3[%dma_wait3A_216, %dma_wait3A_217] : memref<2000000x64xf32, #tpu.memory_space<hbm>> -> memref<2000000x64xf32, #tpu.memory_space<hbm>>
    %dma_wait3A_219 = tpu.memref_slice %arg7[%dma_wait3A_208] : memref<4x!tpu.dma_semaphore, #tpu.memory_space<semaphore_mem>> -> memref<1x!tpu.dma_semaphore, #tpu.memory_space<semaphore_mem>>
    %dma_wait3A_220 = tpu.memref_squeeze %dma_wait3A_219 : memref<1x!tpu.dma_semaphore, #tpu.memory_space<semaphore_mem>> -> memref<!tpu.dma_semaphore, #tpu.memory_space<semaphore_mem>>
    tpu.wait_indirect_dma semaphore(%dma_wait3A_220 : memref<!tpu.dma_semaphore, #tpu.memory_space<semaphore_mem>>) src(%dma_wait3A_218 : memref<2000000x64xf32, #tpu.memory_space<hbm>>) dst(%dma_wait3A_212 : memref<96x64xf32, #tpu.memory_space<vmem>>)
    %add3A_221 = arith.constant 126 : i32
    %add3A_222 = arith.addi %mul3A_2, %add3A_221 : i32
    %run_scoped3A_223 = arith.constant 2 : i32
    "tpu.region"() ({
      %run_scoped3A_257 = tpu.sem_alloc : memref<!tpu.dma_semaphore, #tpu.memory_space<semaphore_mem>>
      %dma_start3A_258 = arith.constant 0 : i32
      %dma_start3A_259 = arith.constant 0 : i32
      %dma_start3A_260 = tpu.memref_slice %arg6[%run_scoped3A_223, %dma_start3A_258, %dma_start3A_259] : memref<4x200x64xf32, #tpu.memory_space<vmem>> -> memref<1x200x64xf32, #tpu.memory_space<vmem>>
      %dma_start3A_261 = tpu.memref_squeeze %dma_start3A_260 : memref<1x200x64xf32, #tpu.memory_space<vmem>> -> memref<200x64xf32, #tpu.memory_space<vmem>>
      %dma_start3A_262 = arith.constant 0 : i32
      %dma_start3A_263 = arith.constant 0 : i32
      %dma_start3A_264 = tpu.memref_slice %arg4[%add3A_222, %dma_start3A_262, %dma_start3A_263] : memref<4096x200x64xf32, #tpu.memory_space<hbm>> -> memref<1x200x64xf32, #tpu.memory_space<hbm>>
      %dma_start3A_265 = tpu.memref_squeeze %dma_start3A_264 : memref<1x200x64xf32, #tpu.memory_space<hbm>> -> memref<200x64xf32, #tpu.memory_space<hbm>>
      %dma_start3A_266 = arith.constant 0 : i32
      %dma_start3A_267 = arith.constant 0 : i32
      %dma_start3A_268 = tpu.memref_slice %arg4[%add3A_222, %dma_start3A_266, %dma_start3A_267] : memref<4096x200x64xf32, #tpu.memory_space<hbm>> -> memref<1x200x64xf32, #tpu.memory_space<hbm>>
      %dma_start3A_269 = tpu.memref_squeeze %dma_start3A_268 : memref<1x200x64xf32, #tpu.memory_space<hbm>> -> memref<200x64xf32, #tpu.memory_space<hbm>>
      %dma_start3A_270 = arith.constant 0 : i32
      %dma_start3A_271 = arith.constant 0 : i32
      %dma_start3A_272 = tpu.memref_slice %arg6[%run_scoped3A_223, %dma_start3A_270, %dma_start3A_271] : memref<4x200x64xf32, #tpu.memory_space<vmem>> -> memref<1x200x64xf32, #tpu.memory_space<vmem>>
      %dma_start3A_273 = tpu.memref_squeeze %dma_start3A_272 : memref<1x200x64xf32, #tpu.memory_space<vmem>> -> memref<200x64xf32, #tpu.memory_space<vmem>>
      tpu.enqueue_dma source(%dma_start3A_273 : memref<200x64xf32, #tpu.memory_space<vmem>>) target(%dma_start3A_269 : memref<200x64xf32, #tpu.memory_space<hbm>>) target_semaphore(%run_scoped3A_257 : memref<!tpu.dma_semaphore, #tpu.memory_space<semaphore_mem>>)
      %dma_wait3A_274 = arith.constant 0 : i32
      %dma_wait3A_275 = arith.constant 0 : i32
      %dma_wait3A_276 = tpu.memref_slice %arg6[%run_scoped3A_223, %dma_wait3A_274, %dma_wait3A_275] : memref<4x200x64xf32, #tpu.memory_space<vmem>> -> memref<1x200x64xf32, #tpu.memory_space<vmem>>
      %dma_wait3A_277 = tpu.memref_squeeze %dma_wait3A_276 : memref<1x200x64xf32, #tpu.memory_space<vmem>> -> memref<200x64xf32, #tpu.memory_space<vmem>>
      %dma_wait3A_278 = arith.constant 0 : i32
      %dma_wait3A_279 = arith.constant 0 : i32
      %dma_wait3A_280 = tpu.memref_slice %arg4[%add3A_222, %dma_wait3A_278, %dma_wait3A_279] : memref<4096x200x64xf32, #tpu.memory_space<hbm>> -> memref<1x200x64xf32, #tpu.memory_space<hbm>>
      %dma_wait3A_281 = tpu.memref_squeeze %dma_wait3A_280 : memref<1x200x64xf32, #tpu.memory_space<hbm>> -> memref<200x64xf32, #tpu.memory_space<hbm>>
      %dma_wait3A_282 = arith.constant 0 : i32
      %dma_wait3A_283 = arith.constant 0 : i32
      %dma_wait3A_284 = tpu.memref_slice %arg4[%add3A_222, %dma_wait3A_282, %dma_wait3A_283] : memref<4096x200x64xf32, #tpu.memory_space<hbm>> -> memref<1x200x64xf32, #tpu.memory_space<hbm>>
      %dma_wait3A_285 = tpu.memref_squeeze %dma_wait3A_284 : memref<1x200x64xf32, #tpu.memory_space<hbm>> -> memref<200x64xf32, #tpu.memory_space<hbm>>
      %dma_wait3A_286 = arith.constant 0 : i32
      %dma_wait3A_287 = arith.constant 0 : i32
      %dma_wait3A_288 = tpu.memref_slice %arg6[%run_scoped3A_223, %dma_wait3A_286, %dma_wait3A_287] : memref<4x200x64xf32, #tpu.memory_space<vmem>> -> memref<1x200x64xf32, #tpu.memory_space<vmem>>
      %dma_wait3A_289 = tpu.memref_squeeze %dma_wait3A_288 : memref<1x200x64xf32, #tpu.memory_space<vmem>> -> memref<200x64xf32, #tpu.memory_space<vmem>>
      tpu.wait_dma2 semaphore(%run_scoped3A_257 : memref<!tpu.dma_semaphore, #tpu.memory_space<semaphore_mem>>) src(%dma_wait3A_289 : memref<200x64xf32, #tpu.memory_space<vmem>>) dst(%dma_wait3A_285 : memref<200x64xf32, #tpu.memory_space<hbm>>)
      tpu.yield
    }) : () -> ()
    %dma_wait3A_224 = arith.constant 127 : i32
    %dma_wait3A_225 = arith.constant 3 : i32
    %dma_wait3A_226 = arith.constant 3 : i32
    %dma_wait3A_227 = arith.constant 0 : i32
    %dma_wait3A_228 = arith.constant 0 : i32
    %dma_wait3A_229 = tpu.memref_slice %arg6[%dma_wait3A_225, %dma_wait3A_227, %dma_wait3A_228] : memref<4x200x64xf32, #tpu.memory_space<vmem>> -> memref<1x104x64xf32, #tpu.memory_space<vmem>>
    %dma_wait3A_230 = tpu.memref_squeeze %dma_wait3A_229 : memref<1x104x64xf32, #tpu.memory_space<vmem>> -> memref<104x64xf32, #tpu.memory_space<vmem>>
    %dma_wait3A_231 = arith.constant 0 : i32
    %dma_wait3A_232 = tpu.memref_slice %arg5[%dma_wait3A_224, %dma_wait3A_231] : memref<128x200xi32, #tpu.memory_space<vmem>> -> memref<1x104xi32, #tpu.memory_space<vmem>>
    %dma_wait3A_233 = tpu.memref_squeeze %dma_wait3A_232 : memref<1x104xi32, #tpu.memory_space<vmem>> -> memref<104xi32, #tpu.memory_space<vmem>>
    %dma_wait3A_234 = arith.constant 0 : i32
    %dma_wait3A_235 = arith.constant 0 : i32
    %dma_wait3A_236 = tpu.memref_slice %arg3[%dma_wait3A_234, %dma_wait3A_235] : memref<2000000x64xf32, #tpu.memory_space<hbm>> -> memref<2000000x64xf32, #tpu.memory_space<hbm>>
    %dma_wait3A_237 = tpu.memref_slice %arg7[%dma_wait3A_226] : memref<4x!tpu.dma_semaphore, #tpu.memory_space<semaphore_mem>> -> memref<1x!tpu.dma_semaphore, #tpu.memory_space<semaphore_mem>>
    %dma_wait3A_238 = tpu.memref_squeeze %dma_wait3A_237 : memref<1x!tpu.dma_semaphore, #tpu.memory_space<semaphore_mem>> -> memref<!tpu.dma_semaphore, #tpu.memory_space<semaphore_mem>>
    tpu.wait_indirect_dma semaphore(%dma_wait3A_238 : memref<!tpu.dma_semaphore, #tpu.memory_space<semaphore_mem>>) src(%dma_wait3A_236 : memref<2000000x64xf32, #tpu.memory_space<hbm>>) dst(%dma_wait3A_230 : memref<104x64xf32, #tpu.memory_space<vmem>>)
    %dma_wait3A_239 = arith.constant 127 : i32
    %dma_wait3A_240 = arith.constant 3 : i32
    %dma_wait3A_241 = arith.constant 3 : i32
    %dma_wait3A_242 = arith.constant 104 : i32
    %dma_wait3A_243 = arith.constant 0 : i32
    %dma_wait3A_244 = tpu.memref_slice %arg6[%dma_wait3A_240, %dma_wait3A_242, %dma_wait3A_243] : memref<4x200x64xf32, #tpu.memory_space<vmem>> -> memref<1x96x64xf32, #tpu.memory_space<vmem>>
    %dma_wait3A_245 = tpu.memref_squeeze %dma_wait3A_244 : memref<1x96x64xf32, #tpu.memory_space<vmem>> -> memref<96x64xf32, #tpu.memory_space<vmem>>
    %dma_wait3A_246 = arith.constant 104 : i32
    %dma_wait3A_247 = tpu.memref_slice %arg5[%dma_wait3A_239, %dma_wait3A_246] : memref<128x200xi32, #tpu.memory_space<vmem>> -> memref<1x96xi32, #tpu.memory_space<vmem>>
    %dma_wait3A_248 = tpu.memref_squeeze %dma_wait3A_247 : memref<1x96xi32, #tpu.memory_space<vmem>> -> memref<96xi32, #tpu.memory_space<vmem>>
    %dma_wait3A_249 = arith.constant 0 : i32
    %dma_wait3A_250 = arith.constant 0 : i32
    %dma_wait3A_251 = tpu.memref_slice %arg3[%dma_wait3A_249, %dma_wait3A_250] : memref<2000000x64xf32, #tpu.memory_space<hbm>> -> memref<2000000x64xf32, #tpu.memory_space<hbm>>
    %dma_wait3A_252 = tpu.memref_slice %arg7[%dma_wait3A_241] : memref<4x!tpu.dma_semaphore, #tpu.memory_space<semaphore_mem>> -> memref<1x!tpu.dma_semaphore, #tpu.memory_space<semaphore_mem>>
    %dma_wait3A_253 = tpu.memref_squeeze %dma_wait3A_252 : memref<1x!tpu.dma_semaphore, #tpu.memory_space<semaphore_mem>> -> memref<!tpu.dma_semaphore, #tpu.memory_space<semaphore_mem>>
    tpu.wait_indirect_dma semaphore(%dma_wait3A_253 : memref<!tpu.dma_semaphore, #tpu.memory_space<semaphore_mem>>) src(%dma_wait3A_251 : memref<2000000x64xf32, #tpu.memory_space<hbm>>) dst(%dma_wait3A_245 : memref<96x64xf32, #tpu.memory_space<vmem>>)
    %add3A_254 = arith.constant 127 : i32
    %add3A_255 = arith.addi %mul3A_2, %add3A_254 : i32
    %run_scoped3A_256 = arith.constant 3 : i32
    "tpu.region"() ({
      %run_scoped3A_257 = tpu.sem_alloc : memref<!tpu.dma_semaphore, #tpu.memory_space<semaphore_mem>>
      %dma_start3A_258 = arith.constant 0 : i32
      %dma_start3A_259 = arith.constant 0 : i32
      %dma_start3A_260 = tpu.memref_slice %arg6[%run_scoped3A_256, %dma_start3A_258, %dma_start3A_259] : memref<4x200x64xf32, #tpu.memory_space<vmem>> -> memref<1x200x64xf32, #tpu.memory_space<vmem>>
      %dma_start3A_261 = tpu.memref_squeeze %dma_start3A_260 : memref<1x200x64xf32, #tpu.memory_space<vmem>> -> memref<200x64xf32, #tpu.memory_space<vmem>>
      %dma_start3A_262 = arith.constant 0 : i32
      %dma_start3A_263 = arith.constant 0 : i32
      %dma_start3A_264 = tpu.memref_slice %arg4[%add3A_255, %dma_start3A_262, %dma_start3A_263] : memref<4096x200x64xf32, #tpu.memory_space<hbm>> -> memref<1x200x64xf32, #tpu.memory_space<hbm>>
      %dma_start3A_265 = tpu.memref_squeeze %dma_start3A_264 : memref<1x200x64xf32, #tpu.memory_space<hbm>> -> memref<200x64xf32, #tpu.memory_space<hbm>>
      %dma_start3A_266 = arith.constant 0 : i32
      %dma_start3A_267 = arith.constant 0 : i32
      %dma_start3A_268 = tpu.memref_slice %arg4[%add3A_255, %dma_start3A_266, %dma_start3A_267] : memref<4096x200x64xf32, #tpu.memory_space<hbm>> -> memref<1x200x64xf32, #tpu.memory_space<hbm>>
      %dma_start3A_269 = tpu.memref_squeeze %dma_start3A_268 : memref<1x200x64xf32, #tpu.memory_space<hbm>> -> memref<200x64xf32, #tpu.memory_space<hbm>>
      %dma_start3A_270 = arith.constant 0 : i32
      %dma_start3A_271 = arith.constant 0 : i32
      %dma_start3A_272 = tpu.memref_slice %arg6[%run_scoped3A_256, %dma_start3A_270, %dma_start3A_271] : memref<4x200x64xf32, #tpu.memory_space<vmem>> -> memref<1x200x64xf32, #tpu.memory_space<vmem>>
      %dma_start3A_273 = tpu.memref_squeeze %dma_start3A_272 : memref<1x200x64xf32, #tpu.memory_space<vmem>> -> memref<200x64xf32, #tpu.memory_space<vmem>>
      tpu.enqueue_dma source(%dma_start3A_273 : memref<200x64xf32, #tpu.memory_space<vmem>>) target(%dma_start3A_269 : memref<200x64xf32, #tpu.memory_space<hbm>>) target_semaphore(%run_scoped3A_257 : memref<!tpu.dma_semaphore, #tpu.memory_space<semaphore_mem>>)
      %dma_wait3A_274 = arith.constant 0 : i32
      %dma_wait3A_275 = arith.constant 0 : i32
      %dma_wait3A_276 = tpu.memref_slice %arg6[%run_scoped3A_256, %dma_wait3A_274, %dma_wait3A_275] : memref<4x200x64xf32, #tpu.memory_space<vmem>> -> memref<1x200x64xf32, #tpu.memory_space<vmem>>
      %dma_wait3A_277 = tpu.memref_squeeze %dma_wait3A_276 : memref<1x200x64xf32, #tpu.memory_space<vmem>> -> memref<200x64xf32, #tpu.memory_space<vmem>>
      %dma_wait3A_278 = arith.constant 0 : i32
      %dma_wait3A_279 = arith.constant 0 : i32
      %dma_wait3A_280 = tpu.memref_slice %arg4[%add3A_255, %dma_wait3A_278, %dma_wait3A_279] : memref<4096x200x64xf32, #tpu.memory_space<hbm>> -> memref<1x200x64xf32, #tpu.memory_space<hbm>>
      %dma_wait3A_281 = tpu.memref_squeeze %dma_wait3A_280 : memref<1x200x64xf32, #tpu.memory_space<hbm>> -> memref<200x64xf32, #tpu.memory_space<hbm>>
      %dma_wait3A_282 = arith.constant 0 : i32
      %dma_wait3A_283 = arith.constant 0 : i32
      %dma_wait3A_284 = tpu.memref_slice %arg4[%add3A_255, %dma_wait3A_282, %dma_wait3A_283] : memref<4096x200x64xf32, #tpu.memory_space<hbm>> -> memref<1x200x64xf32, #tpu.memory_space<hbm>>
      %dma_wait3A_285 = tpu.memref_squeeze %dma_wait3A_284 : memref<1x200x64xf32, #tpu.memory_space<hbm>> -> memref<200x64xf32, #tpu.memory_space<hbm>>
      %dma_wait3A_286 = arith.constant 0 : i32
      %dma_wait3A_287 = arith.constant 0 : i32
      %dma_wait3A_288 = tpu.memref_slice %arg6[%run_scoped3A_256, %dma_wait3A_286, %dma_wait3A_287] : memref<4x200x64xf32, #tpu.memory_space<vmem>> -> memref<1x200x64xf32, #tpu.memory_space<vmem>>
      %dma_wait3A_289 = tpu.memref_squeeze %dma_wait3A_288 : memref<1x200x64xf32, #tpu.memory_space<vmem>> -> memref<200x64xf32, #tpu.memory_space<vmem>>
      tpu.wait_dma2 semaphore(%run_scoped3A_257 : memref<!tpu.dma_semaphore, #tpu.memory_space<semaphore_mem>>) src(%dma_wait3A_289 : memref<200x64xf32, #tpu.memory_space<vmem>>) dst(%dma_wait3A_285 : memref<200x64xf32, #tpu.memory_space<hbm>>)
      tpu.yield
    }) : () -> ()
    return
  }
}

</mosaic_0001>

<sc_bundles>
// kernel: kernel.3.cloned.1.call-start
scs
__scs_entry_jumppad:
0x0: {  	(pc) =	sbr.rel $0x88, $3  }
0x1: {  	(tag) =	ssettag $0x0;
	lr =	simm.s32 $0x1  }
0x2: {  	[smem:$0x3F9F] =	sst lr;
	_ =	strace $0xD0000000  }
0x3: {  	_ = 	snop  }
0x4: {  	_ = 	snop  }
0x5: {  	_ = 	snop  }
0x6: {  	_ = 	snop  }
0x7: {  	_ = 	snop  }
__scs_overlays_trampoline_lowered:
0x8: {  	[smem:$0x3FAE] =	sst s0  }
0x9: {  	[smem:$0x3FAF] =	sst s1  }
0xa: {  	[smem:$0x3FB0] =	sst s2  }
0xb: {  	[smem:$0x3FB1] =	sst s3  }
0xc: {  	[smem:$0x3FB2] =	sst s4  }
0xd: {  	[smem:$0x3FB3] =	sst s5  }
0xe: {  	[smem:$0x3FB4] =	sst s6  }
0xf: {  	[smem:$0x3FB5] =	sst s7  }
0x10: {  	[smem:$0x3FB6] =	sst s8  }
0x11: {  	[smem:$0x3FB7] =	sst s9;
	s0 =	simm.s32 @!p0 $0x0  }
0x12: {  	s1 =	sld [smem:$0x3F9D];
	s0 =	simm.s32 @p0 $0x1  }
0x13: {  	[smem:$0x3FB8] =	sst s0;
	s0 =	simm.s32 @!p1 $0x0  }
0x14: {  	s2 =	sld [smem:$0x3F9C];
	s0 =	simm.s32 @p1 $0x1  }
0x15: {  	[smem:$0x3FB9] =	sst s0;
	s0 =	simm.s32 @!p2 $0x0  }
0x16: {  	s3 =	sld [smem:$0x3FDB];
	s0 =	simm.s32 @p2 $0x1  }
0x17: {  	s4 =	simm.s32 $0x1BF5;
	[smem:$0x3FBB] =	sst s0  }
0x18: {  	s0 =	sld [smem:$0x3F9E];
	_ =	swait.ge [sflag:s4], $0x0  }
0x19: {  	s7 =	sld [smem:$0x3F9F]  }
0x1a: {  	s8 =	sadd.s32 $0xFFFFE003, lr  }
0x1b: {  	s9 =	sadd.s32 $0xFFFFFEF7, lr;
	s5 =	simm.s32 $0xFFFFFFFF;
	p2 =	slt.u32 s8, $0xFFFFF086  }
0x1c: {  	p1 =	slt.u32 s9, $0xF7A;
	s5 =	simm.s32 @!p2 $0x0  }
0x1d: {  	s5 =	simm.s32 @p1 $0x1;
	p0 =	seq.s32 s7, s2  }
0x1e: {  	s7 =	smul.u32 @!p0 $0xF7A, s2;
	p2 =	seq.s32 @!p0 s5, $0x0  }
0x1f: {  	s9 =	smul.u32 $0xF7A, s1;
	s8 =	simm.s32 @!p0 $0x1BF5;
	p2 =	por !p2, p0  }
0x20: {  	[sflag:s8] =	ssyncset.s32 @!p0 $0xFFFFF086;
	s6 =	sadd.s32 @!p0 s3, s7;
	s7 =	simm.s32 @!p0 $0x108  }
0x21: {  	s3 =	sadd.s32 s3, s9;
	s6 =	sadd.s32 @!p0 $0x88, s6;
	s7 =	simm.s32 @p2 $0x1082  }
0x22: {  	[simem:s7], [sflag:s8] =	dma.local @!p0 [hbm:s6], $0xF7A  }
0x23: {  	s9 =	sor.u32 $0xD0000000, s2;
	s6 =	simm.s32 $0x108;
	_ =	swait.ge @!p0 [sflag:s8], $0x0  }
0x24: {  	s3 =	sadd.s32 $0x88, s3;
	s6 =	simm.s32 @!p1 $0x1082;
	[sflag:s4] =	ssyncset.s32 $0xFFFFF086  }
0x25: {  	[simem:s6], [sflag:s4] =	dma.local [hbm:s3], $0xF7A  }
0x26: {  	[smem:$0x3F9F] =	sst s1;
	(tag) =	ssettag s2;
	_ =	strace s9  }
0x27: {  	s1 =	sld [smem:$0x3FAF]  }
0x28: {  	s2 =	sld [smem:$0x3FB0]  }
0x29: {  	s4 =	sld [smem:$0x3FB2]  }
0x2a: {  	p0 =	seq.s32 s5, $0x0;
	s5 =	sld [smem:$0x3FB3]  }
0x2b: {  	s6 =	sld [smem:$0x3FB4]  }
0x2c: {  	s7 =	sld [smem:$0x3FB5]  }
0x2d: {  	s3 =	simm.s32 $0x108;
	s8 =	sld [smem:$0x3FB6]  }
0x2e: {  	s3 =	simm.s32 @!p0 $0x1082;
	s9 =	sld [smem:$0x3FB7]  }
0x2f: {  	lr =	sadd.s32 s0, s3;
	s0 =	sld [smem:$0x3FAE]  }
0x30: {  	s3 =	sld [smem:$0x3FB1]  }
0x31: {  	[smem:$0x3FBA] =	sst s10  }
0x32: {  	s10 =	sld [smem:$0x3FB8];
	_ =	sdelay $0x3  }
0x33: {  	p0 =	seq.s32 s10, $0x1;
	s10 =	sld [smem:$0x3FBA];
	_ =	sdelay $0x3  }
0x34: {  	[smem:$0x3FBA] =	sst s10  }
0x35: {  	s10 =	sld [smem:$0x3FB9];
	_ =	sdelay $0x3  }
0x36: {  	p1 =	seq.s32 s10, $0x1;
	s10 =	sld [smem:$0x3FBA];
	_ =	sdelay $0x3  }
0x37: {  	[smem:$0x3FBA] =	sst s10  }
0x38: {  	s10 =	sld [smem:$0x3FBB]  }
0x39: {  	_ = 	snop;
	(pc) =	sbr.ind lr, $3  }
0x3a: {  	_ = 	snop  }
0x3b: {  	_ = 	snop  }
0x3c: {  	p2 =	seq.s32 s10, $0x1;
	s10 =	sld [smem:$0x3FBA]  }
0x3d: {  	_ =	shalt  }
0x3e: {  	_ =	shalt  }
0x3f: {  	_ =	shalt  }
0x40: {  	_ =	shalt  }
0x41: {  	_ =	shalt  }
0x42: {  	_ =	shalt  }
0x43: {  	_ =	shalt  }
0x44: {  	_ =	shalt  }
0x45: {  	_ =	shalt  }
0x46: {  	_ =	shalt  }
0x47: {  	_ =	shalt  }
0x48: {  	_ =	shalt  }
0x49: {  	_ =	shalt  }
0x4a: {  	_ =	shalt  }
0x4b: {  	_ =	shalt  }
0x4c: {  	_ =	shalt  }
0x4d: {  	_ =	shalt  }
0x4e: {  	_ =	shalt  }
0x4f: {  	_ =	shalt  }
0x50: {  	_ =	shalt  }
0x51: {  	_ =	shalt  }
0x52: {  	_ =	shalt  }
0x53: {  	_ =	shalt  }
0x54: {  	_ =	shalt  }
0x55: {  	_ =	shalt  }
0x56: {  	_ =	shalt  }
0x57: {  	_ =	shalt  }
0x58: {  	_ =	shalt  }
0x59: {  	_ =	shalt  }
0x5a: {  	_ =	shalt  }
0x5b: {  	_ =	shalt  }
0x5c: {  	_ =	shalt  }
0x5d: {  	_ =	shalt  }
0x5e: {  	_ =	shalt  }
0x5f: {  	_ =	shalt  }
0x60: {  	_ =	shalt  }
0x61: {  	_ =	shalt  }
0x62: {  	_ =	shalt  }
0x63: {  	_ =	shalt  }
0x64: {  	_ =	shalt  }
0x65: {  	_ =	shalt  }
0x66: {  	_ =	shalt  }
0x67: {  	_ =	shalt  }
0x68: {  	_ =	shalt  }
0x69: {  	_ =	shalt  }
0x6a: {  	_ =	shalt  }
0x6b: {  	_ =	shalt  }
0x6c: {  	_ =	shalt  }
0x6d: {  	_ =	shalt  }
0x6e: {  	_ =	shalt  }
0x6f: {  	_ =	shalt  }
0x70: {  	_ =	shalt  }
0x71: {  	_ =	shalt  }
0x72: {  	_ =	shalt  }
0x73: {  	_ =	shalt  }
0x74: {  	_ =	shalt  }
0x75: {  	_ =	shalt  }
0x76: {  	_ =	shalt  }
0x77: {  	_ =	shalt  }
0x78: {  	_ =	shalt  }
0x79: {  	_ =	shalt  }
0x7a: {  	_ =	shalt  }
0x7b: {  	_ =	shalt  }
0x7c: {  	_ =	shalt  }
0x7d: {  	_ =	shalt  }
0x7e: {  	_ =	shalt  }
0x7f: {  	_ =	shalt  }
0x80: {  	_ =	shalt  }
0x81: {  	_ =	shalt  }
0x82: {  	_ =	shalt  }
0x83: {  	_ =	shalt  }
0x84: {  	_ =	shalt  }
0x85: {  	_ =	shalt  }
0x86: {  	_ =	shalt  }
0x87: {  	_ =	shalt  }
.Lfunc_end0:
.L_simem_size_0:
called_computation.2_lowered:
.L_overlay_start_0:
0x88: {  	s2 =	sld [smem:$0x3FD9]  }
0x89: {  	s3 =	sld [smem:$0x3FFE];
	_ =	sdelay $0x1  }
0x8a: {  	s1 =	srdreg.scid  }
0x8b: {  	s0 =	sand.u32 $0x1, s1  }
0x8c: {  	s17 =	sshll.u32 s0, $0xA;
	s2 =	sadd.s32 s3, s2  }
0x8d: {  	s2 =	sadd.s32 s2, s17  }
0x8e: {  	[smem:$0x3FC6] =	sst s2  }
0x8f: {  	_ = 	snop  }
0x90: {  	s2 =	sld [smem:$0x3FD0];
	(tm) =	ssettm $0x1  }
0x91: {  	s18 =	sld [smem:$0x3FFB];
	_ =	sdelay $0x3  }
0x92: {  	_ =	strace s18  }
0x93: {  	s3 =	sld [smem:$0x3FFC];
	_ =	sdelay $0x3  }
0x94: {  	_ =	strace s3  }
0x95: {  	s3 =	sld [smem:$0x3FFD];
	_ =	sdelay $0x3  }
0x96: {  	_ =	strace s3  }
0x97: {  	_ =	strace $0x8FFFFFFF  }
0x98: {  	s19 =	sld [smem:$0x3FDB];
	_ =	sdelay $0x1  }
0x99: {  	s4 =	simm.s32 $_scs_section_size  }
0x9a: {  	s5 =	simm.s32 $_size__tile_overlayer_lowered;
	s6 =	simm.s32 $_tile_overlayer_lowered  }
0x9b: {  	s22 =	simm.s32 $0x1BFF;
	s21 =	sshll.u32 s6, $0x1;
	s3 =	sadd.s32 s4, s19  }
0x9c: {  	s7 =	simm.s32 $0x0;
	s20 =	sshll.u32 s5, $0x1;
	s5 =	sadd.s32 s21, s3  }
0x9d: {  	[timem:s7], [sflag:s22] =	dma.local [hbm:s5], s20  }
0x9e: {  	_ =	swait.ge [sflag:s22], s20  }
0x9f: {  	s4 =	ssub.s32 $0x0, s20;
	[sflag:s22] =	ssyncset.done $0x0  }
0xa0: {  	[sflag:s22] =	ssyncadd.s32 s4;
	_ =	sdelay $0x1  }
0xa1: {  	s23 =	simm.s32 $0x1B8B  }
0xa2: {  	_ =	swait.ge [sflag:s23], $0x1  }
0xa3: {  	[sflag:s23] =	ssyncset.done $0x0  }
0xa4: {  	s25 =	simm.s32 $0x1B8E;
	s24 =	sld [smem:$0x3FFE];
	[sflag:s23] =	ssyncadd.s32 $0xFFFFFFFF  }
0xa5: {  	s26 =	simm.s32 $execute0_lowered;
	[smem:$0x3FD2] =	sst s25  }
0xa6: {  	s5 =	sshll.u32 s26, $0x1;
	_ =	strace $0x80000049;
	[dreg:$0x1] =	wrdreg $0xFFFFFFFF  }
0xa7: {  	s28 =	simm.s32 $_size_execute0_lowered;
	s3 =	sadd.s32 s3, s5;
	[dreg:$0x0] =	wrdreg $0x0  }
0xa8: {  	s5 =	sshll.u32 s28, $0x1;
	[dreg:$0x2] =	wrdreg s3  }
0xa9: {  	[dreg:$0x3] =	wrdreg s5  }
0xaa: {  	[dreg:$0x4] =	wrdreg $0xC0  }
0xab: {  	_ =	task [dreg:s7], $0x5FFFF  }
0xac: {  	[dreg:$0x1] =	wrdreg $0xFFFFFFFF  }
0xad: {  	[dreg:$0x0] =	wrdreg $0x60  }
0xae: {  	[dreg:$0x2] =	wrdreg s24  }
0xaf: {  	[dreg:$0x3] =	wrdreg s2  }
0xb0: {  	[dreg:$0x4] =	wrdreg $0x9  }
0xb1: {  	_ =	task.clear_ibuf [dreg:s7], $0x5FFFF;
	_ =	strace $0x90000049  }
0xb2: {  	s29 =	simm.s32 $0x9;
	_ =	strace $0x8000004B  }
0xb3: {  	_ =	swait.ge [sflag:s29], $0x1  }
0xb4: {  	[sflag:s29] =	ssyncadd.s32 $0xFFFFFFFF  }
0xb5: {  	_ =	strace $0x9000004B  }
0xb6: {  	_ =	sfence  }
0xb7: {  	s30 =	sld [smem:$0x0];
	_ =	sdelay $0x2  }
0xb8: {  	s31 =	sshll.u32 s1, $0xD;
	s1 =	sshrl.u32 s1, $0x2  }
0xb9: {  	s3 =	sand.u32 $0x4000, s31;
	s1 =	sadd.s32 s1, s30  }
0xba: {  	s0 =	sor.u32 s3, s0;
	s1 =	sshll.u32 s1, $0x11  }
0xbb: {  	s0 =	sor.u32 s1, s0  }
0xbc: {  	s0 =	sadd.s32 $0x8F2B, s0  }
0xbd: {  	[sflag:s0] =	ssyncadd.remote.s32 $0x1  }
0xbe: {  	_ =	sfence.sel $0xFFFF  }
0xbf: {  	[dreg:$0x0] =	wrdreg $0xFFFFFFFF;
	(pc) =	sbr.abs _section_cstart, $3  }
0xc0: {  	[dreg:$0x1] =	wrdreg $0xFFFFFFFF  }
0xc1: {  	_ =	task.clear_ibuf [dreg:s7], $0x2FFFF;
	_ =	strace $0x9FFFFFFF  }
0xc2: {  	(tm) =	ssettm $0x7FFFFFFF  }
0xc3: {  	_ =	shalt  }
tec
execute0_lowered:
.L_overlay_start_1:
0x0: {  	(tag) =	ssettag $0x1  }
0x1: {  	s0 =	srdreg.scid  }
0x2: {  	s10 =	stileid.u32;
	s1 =	rddreg [dreg:$0x0]  }
0x3: {  	s9 =	rddreg [dreg:$0x1];
	s11 =	simm.s32 $0x5;
	s12 =	simm.s32 $0x68  }
0x4: {  	s13 =	simm.s32 $0x6400;
	s14 =	simm.s32 $0x60;
	s15 =	simm.s32 $0x7E00  }
0x5: {  	s17 =	simm.s32 $0x9600;
	s19 =	simm.s32 $0xB000;
	s21 =	simm.s32 $0xC800  }
0x6: {  	s23 =	simm.s32 $0xE200;
	s24 =	simm.s32 $0x258;
	s28 =	simm.s32 $0x11400  }
0x7: {  	s29 =	simm.s32 $0x1;
	s30 =	simm.s32 $0x2;
	s31 =	simm.s32 $0x3  }
0x8: {  	s0 =	sand.u32 $0x1, s0;
	s2 =	sshll.u32 s10, $0x8;
	s10 =	smul.u32 $0x64000, s10  }
0x9: {  	s3 =	sshll.u32 s0, $0x7;
	s5 =	ssub.s32 $0x2, s0;
	s0 =	smul.u32 $0x32000, s0  }
0xa: {  	s3 =	sor.u32 s3, s2;
	s2 =	simm.s32 $0x0;
	s7 =	sshrl.u32 s5, $0x1  }
0xb: {  	s10 =	sadd.s32 s10, s9;
	s4 =	smul.u32 $0x19, s3;
	[smem:$0x7FF] =	sst s2  }
0xc: {  	s6 =	smul.u32 $0x3200, s3;
	s3 =	sadd.s32 $0xF5C200, s1;
	s25 =	ssub.s32 s5, s7  }
0xd: {  	s10 =	sadd.s32 s0, s10;
	s0 =	simm.s32 $0x0;
	_ =	strace $0x8000004A  }
0xe: {  	s4 =	sadd.s32 s4, s1;
	s26 =	sshrl.u32 s6, $0x3;
	s1 =	simm.s32 $0x4  }
0xf: {  	s4 =	sadd.s32 $0xF43200, s4;
	s8 =	sadd.s32 s9, s26;
	s9 =	smax.u32 s25, $0x1  }
0x10: {  	s25 =	simm.s32 $0xFA00;
	s26 =	simm.s32 $0x2C0;
	s5 =	sadd.s32 $0x30700, s8  }
0x11: {  	s6 =	sadd.s32 $0x30D40, s8;
	s7 =	sadd.s32 $0x31380, s8;
	s8 =	sadd.s32 $0x319C0, s8  }
.LBB2_1:
0x12: {  	[tilespmem:s2], [sflag:$0x5] =	stream.linear.gather [hbm4b:s4+s2], $0x6400, $0x38;
	[tilespmem:$0x12C00] =	vst v63  }
0x13: {  	_ =	swait.ge [sflag:s11], $0x6400  }
0x14: {  	[sflag:s11] =	ssyncset.done $0x0  }
0x15: {  	[sflag:s11] =	ssyncadd.s32 $0xFFFF9C00  }
0x16: {  	[tilespmem:s13], [sflag:$0x1] =	stream.indirect.gather [hbm4b:s3+s12], $0x40, s2, s12, $0xb8;
	[tilespmem:$0x12C00] =	vst v63  }
0x17: {  	_ = 	snop  }
0x18: {  	[tilespmem:s15], [sflag:$0x1] =	stream.indirect.gather [hbm4b:s3+s14], $0x40, s12, s14, $0xb8;
	[tilespmem:$0x12C00] =	vst v63  }
0x19: {  	s16 =	simm.s32 $0xC8  }
0x1a: {  	[tilespmem:s17], [sflag:$0x2] =	stream.indirect.gather [hbm4b:s3+s12], $0x40, s16, s12, $0xb8;
	[tilespmem:$0x12C00] =	vst v63  }
0x1b: {  	s22 =	simm.s32 $0x130  }
0x1c: {  	[tilespmem:s19], [sflag:$0x2] =	stream.indirect.gather [hbm4b:s3+s14], $0x40, s22, s14, $0xb8;
	[tilespmem:$0x12C00] =	vst v63  }
0x1d: {  	s18 =	simm.s32 $0x190  }
0x1e: {  	[tilespmem:s21], [sflag:$0x3] =	stream.indirect.gather [hbm4b:s3+s12], $0x40, s18, s12, $0xb8;
	[tilespmem:$0x12C00] =	vst v63  }
0x1f: {  	s20 =	simm.s32 $0x1F8  }
0x20: {  	[tilespmem:s23], [sflag:$0x3] =	stream.indirect.gather [hbm4b:s3+s14], $0x40, s20, s14, $0xb8;
	[tilespmem:$0x12C00] =	vst v63  }
0x21: {  	_ = 	snop  }
0x22: {  	[tilespmem:s25], [sflag:$0x4] =	stream.indirect.gather [hbm4b:s3+s12], $0x40, s24, s12, $0xb8;
	[tilespmem:$0x12C00] =	vst v63  }
0x23: {  	_ = 	snop  }
0x24: {  	[tilespmem:s28], [sflag:$0x4] =	stream.indirect.gather [hbm4b:s3+s14], $0x40, s26, s14, $0xb8;
	[tilespmem:$0x12C00] =	vst v63  }
0x25: {  	_ =	swait.ge [sflag:s29], $0x1A00  }
0x26: {  	[sflag:s29] =	ssyncset.done $0x0  }
0x27: {  	[sflag:s29] =	ssyncadd.s32 $0xFFFFE600  }
0x28: {  	_ =	swait.ge [sflag:s29], $0x1800  }
0x29: {  	[sflag:s29] =	ssyncset.done $0x0  }
0x2a: {  	[sflag:s29] =	ssyncadd.s32 $0xFFFFE800  }
0x2b: {  	[hbm4b:s10+s2] =	stream.linear.scatter [tilespmem:s13], [sflag:$0x5], $0x3200, $0x38;
	[tilespmem:$0x12C00] =	vst v63  }
0x2c: {  	_ =	swait.ge [sflag:s11], $0x3200  }
0x2d: {  	[sflag:s11] =	ssyncset.done $0x0  }
0x2e: {  	s22 =	simm.s32 $0x320;
	[sflag:s11] =	ssyncadd.s32 $0xFFFFCE00  }
0x2f: {  	[tilespmem:s13], [sflag:$0x1] =	stream.indirect.gather [hbm4b:s3+s12], $0x40, s22, s12, $0xb8;
	[tilespmem:$0x12C00] =	vst v63  }
0x30: {  	s18 =	simm.s32 $0x388  }
0x31: {  	[tilespmem:s15], [sflag:$0x1] =	stream.indirect.gather [hbm4b:s3+s14], $0x40, s18, s14, $0xb8;
	[tilespmem:$0x12C00] =	vst v63  }
0x32: {  	_ =	swait.ge [sflag:s30], $0x1A00  }
0x33: {  	[sflag:s30] =	ssyncset.done $0x0  }
0x34: {  	[sflag:s30] =	ssyncadd.s32 $0xFFFFE600  }
0x35: {  	_ =	swait.ge [sflag:s30], $0x1800  }
0x36: {  	[sflag:s30] =	ssyncset.done $0x0  }
0x37: {  	s20 =	sadd.s32 $0x640, s10;
	[sflag:s30] =	ssyncadd.s32 $0xFFFFE800  }
0x38: {  	[hbm4b:s20+s2] =	stream.linear.scatter [tilespmem:s17], [sflag:$0x5], $0x3200, $0x38;
	[tilespmem:$0x12C00] =	vst v63  }
0x39: {  	_ =	swait.ge [sflag:s11], $0x3200  }
0x3a: {  	[sflag:s11] =	ssyncset.done $0x0  }
0x3b: {  	s22 =	simm.s32 $0x3E8;
	[sflag:s11] =	ssyncadd.s32 $0xFFFFCE00  }
0x3c: {  	[tilespmem:s17], [sflag:$0x2] =	stream.indirect.gather [hbm4b:s3+s12], $0x40, s22, s12, $0xb8;
	[tilespmem:$0x12C00] =	vst v63  }
0x3d: {  	s18 =	simm.s32 $0x450  }
0x3e: {  	[tilespmem:s19], [sflag:$0x2] =	stream.indirect.gather [hbm4b:s3+s14], $0x40, s18, s14, $0xb8;
	[tilespmem:$0x12C00] =	vst v63  }
0x3f: {  	_ =	swait.ge [sflag:s31], $0x1A00  }
0x40: {  	[sflag:s31] =	ssyncset.done $0x0  }
0x41: {  	[sflag:s31] =	ssyncadd.s32 $0xFFFFE600  }
0x42: {  	_ =	swait.ge [sflag:s31], $0x1800  }
0x43: {  	[sflag:s31] =	ssyncset.done $0x0  }
0x44: {  	s20 =	sadd.s32 $0xC80, s10;
	[sflag:s31] =	ssyncadd.s32 $0xFFFFE800  }
0x45: {  	[hbm4b:s20+s2] =	stream.linear.scatter [tilespmem:s21], [sflag:$0x5], $0x3200, $0x38;
	[tilespmem:$0x12C00] =	vst v63  }
0x46: {  	_ =	swait.ge [sflag:s11], $0x3200  }
0x47: {  	[sflag:s11] =	ssyncset.done $0x0  }
0x48: {  	s22 =	simm.s32 $0x4B0;
	[sflag:s11] =	ssyncadd.s32 $0xFFFFCE00  }
0x49: {  	[tilespmem:s21], [sflag:$0x3] =	stream.indirect.gather [hbm4b:s3+s12], $0x40, s22, s12, $0xb8;
	[tilespmem:$0x12C00] =	vst v63  }
0x4a: {  	s18 =	simm.s32 $0x518  }
0x4b: {  	[tilespmem:s23], [sflag:$0x3] =	stream.indirect.gather [hbm4b:s3+s14], $0x40, s18, s14, $0xb8;
	[tilespmem:$0x12C00] =	vst v63  }
0x4c: {  	_ =	swait.ge [sflag:s1], $0x1A00  }
0x4d: {  	[sflag:s1] =	ssyncset.done $0x0  }
0x4e: {  	[sflag:s1] =	ssyncadd.s32 $0xFFFFE600  }
0x4f: {  	_ =	swait.ge [sflag:s1], $0x1800  }
0x50: {  	[sflag:s1] =	ssyncset.done $0x0  }
0x51: {  	s20 =	sadd.s32 $0x12C0, s10;
	[sflag:s1] =	ssyncadd.s32 $0xFFFFE800  }
0x52: {  	[hbm4b:s20+s2] =	stream.linear.scatter [tilespmem:s25], [sflag:$0x5], $0x3200, $0x38;
	[tilespmem:$0x12C00] =	vst v63  }
0x53: {  	_ =	swait.ge [sflag:s11], $0x3200  }
0x54: {  	s16 =	simm.s32 $0xC80;
	s22 =	simm.s32 $0x578;
	[sflag:s11] =	ssyncset.done $0x0  }
0x55: {  	s18 =	sadd.s32 $0x1900, s10;
	s20 =	simm.s32 $0x5E0;
	[sflag:s11] =	ssyncadd.s32 $0xFFFFCE00  }
0x56: {  	[tilespmem:s25], [sflag:$0x4] =	stream.indirect.gather [hbm4b:s3+s12], $0x40, s22, s12, $0xb8;
	[tilespmem:$0x12C00] =	vst v63  }
.LBB2_2:
0x57: {  	[tilespmem:s28], [sflag:$0x4] =	stream.indirect.gather [hbm4b:s3+s14], $0x40, s20, s14, $0xb8;
	[tilespmem:$0x12C00] =	vst v63  }
0x58: {  	s20 =	smov.u32 s16  }
0x59: {  	p0 =	sne.s32 s16, $0x17700;
	s16 =	sadd.s32 $0xC80, s16;
	_ =	swait.ge [sflag:s29], $0x1A00  }
0x5a: {  	[sflag:s29] =	ssyncset.done $0x0  }
0x5b: {  	[sflag:s29] =	ssyncadd.s32 $0xFFFFE600  }
0x5c: {  	_ =	swait.ge [sflag:s29], $0x1800  }
0x5d: {  	[sflag:s29] =	ssyncset.done $0x0  }
0x5e: {  	[sflag:s29] =	ssyncadd.s32 $0xFFFFE800  }
0x5f: {  	[hbm4b:s18+s2] =	stream.linear.scatter [tilespmem:s13], [sflag:$0x5], $0x3200, $0x38;
	[tilespmem:$0x12C00] =	vst v63  }
0x60: {  	_ =	swait.ge [sflag:s11], $0x3200  }
0x61: {  	s20 =	sshra.s32 s20, $0x2;
	[sflag:s11] =	ssyncset.done $0x0  }
0x62: {  	s22 =	sadd.s32 $0x320, s20;
	[sflag:s11] =	ssyncadd.s32 $0xFFFFCE00  }
0x63: {  	[tilespmem:s13], [sflag:$0x1] =	stream.indirect.gather [hbm4b:s3+s12], $0x40, s22, s12, $0xb8;
	[tilespmem:$0x12C00] =	vst v63  }
0x64: {  	s22 =	sadd.s32 $0x388, s20  }
0x65: {  	[tilespmem:s15], [sflag:$0x1] =	stream.indirect.gather [hbm4b:s3+s14], $0x40, s22, s14, $0xb8;
	[tilespmem:$0x12C00] =	vst v63  }
0x66: {  	_ =	swait.ge [sflag:s30], $0x1A00  }
0x67: {  	[sflag:s30] =	ssyncset.done $0x0  }
0x68: {  	[sflag:s30] =	ssyncadd.s32 $0xFFFFE600  }
0x69: {  	_ =	swait.ge [sflag:s30], $0x1800  }
0x6a: {  	[sflag:s30] =	ssyncset.done $0x0  }
0x6b: {  	s22 =	sadd.s32 $0x640, s18;
	[sflag:s30] =	ssyncadd.s32 $0xFFFFE800  }
0x6c: {  	[hbm4b:s22+s2] =	stream.linear.scatter [tilespmem:s17], [sflag:$0x5], $0x3200, $0x38;
	[tilespmem:$0x12C00] =	vst v63  }
0x6d: {  	_ =	swait.ge [sflag:s11], $0x3200  }
0x6e: {  	[sflag:s11] =	ssyncset.done $0x0  }
0x6f: {  	s22 =	sadd.s32 $0x3E8, s20;
	[sflag:s11] =	ssyncadd.s32 $0xFFFFCE00  }
0x70: {  	[tilespmem:s17], [sflag:$0x2] =	stream.indirect.gather [hbm4b:s3+s12], $0x40, s22, s12, $0xb8;
	[tilespmem:$0x12C00] =	vst v63  }
0x71: {  	s22 =	sadd.s32 $0x450, s20  }
0x72: {  	[tilespmem:s19], [sflag:$0x2] =	stream.indirect.gather [hbm4b:s3+s14], $0x40, s22, s14, $0xb8;
	[tilespmem:$0x12C00] =	vst v63  }
0x73: {  	_ =	swait.ge [sflag:s31], $0x1A00  }
0x74: {  	[sflag:s31] =	ssyncset.done $0x0  }
0x75: {  	[sflag:s31] =	ssyncadd.s32 $0xFFFFE600  }
0x76: {  	_ =	swait.ge [sflag:s31], $0x1800  }
0x77: {  	[sflag:s31] =	ssyncset.done $0x0  }
0x78: {  	s22 =	sadd.s32 $0xC80, s18;
	[sflag:s31] =	ssyncadd.s32 $0xFFFFE800  }
0x79: {  	[hbm4b:s22+s2] =	stream.linear.scatter [tilespmem:s21], [sflag:$0x5], $0x3200, $0x38;
	[tilespmem:$0x12C00] =	vst v63  }
0x7a: {  	_ =	swait.ge [sflag:s11], $0x3200  }
0x7b: {  	[sflag:s11] =	ssyncset.done $0x0  }
0x7c: {  	s22 =	sadd.s32 $0x4B0, s20;
	[sflag:s11] =	ssyncadd.s32 $0xFFFFCE00  }
0x7d: {  	[tilespmem:s21], [sflag:$0x3] =	stream.indirect.gather [hbm4b:s3+s12], $0x40, s22, s12, $0xb8;
	[tilespmem:$0x12C00] =	vst v63  }
0x7e: {  	s22 =	sadd.s32 $0x518, s20  }
0x7f: {  	[tilespmem:s23], [sflag:$0x3] =	stream.indirect.gather [hbm4b:s3+s14], $0x40, s22, s14, $0xb8;
	[tilespmem:$0x12C00] =	vst v63  }
0x80: {  	_ =	swait.ge [sflag:s1], $0x1A00  }
0x81: {  	[sflag:s1] =	ssyncset.done $0x0  }
0x82: {  	[sflag:s1] =	ssyncadd.s32 $0xFFFFE600  }
0x83: {  	_ =	swait.ge [sflag:s1], $0x1800  }
0x84: {  	[sflag:s1] =	ssyncset.done $0x0  }
0x85: {  	s22 =	sadd.s32 $0x12C0, s18;
	[sflag:s1] =	ssyncadd.s32 $0xFFFFE800  }
0x86: {  	[hbm4b:s22+s2] =	stream.linear.scatter [tilespmem:s25], [sflag:$0x5], $0x3200, $0x38;
	[tilespmem:$0x12C00] =	vst v63  }
.Ltmp0:
0x87: {  	_ =	swait.ge [sflag:s11], $0x3200;
	(pc) =	sbr.rel @p0 .LBB2_2-.Ltmp0, $4  }
0x88: {  	[sflag:s11] =	ssyncset.done $0x0  }
0x89: {  	s22 =	sadd.s32 $0x578, s20;
	[sflag:s11] =	ssyncadd.s32 $0xFFFFCE00  }
0x8a: {  	[tilespmem:s25], [sflag:$0x4] =	stream.indirect.gather [hbm4b:s3+s12], $0x40, s22, s12, $0xb8;
	[tilespmem:$0x12C00] =	vst v63  }
0x8b: {  	s18 =	sadd.s32 $0x1900, s18;
	s20 =	sadd.s32 $0x5E0, s20  }
0x8c: {  	[tilespmem:s28], [sflag:$0x4] =	stream.indirect.gather [hbm4b:s3+s14], $0x40, s20, s14, $0xb8;
	[tilespmem:$0x12C00] =	vst v63  }
0x8d: {  	_ =	swait.ge [sflag:s29], $0x1A00  }
0x8e: {  	[sflag:s29] =	ssyncset.done $0x0  }
0x8f: {  	[sflag:s29] =	ssyncadd.s32 $0xFFFFE600  }
0x90: {  	_ =	swait.ge [sflag:s29], $0x1800  }
0x91: {  	[sflag:s29] =	ssyncset.done $0x0  }
0x92: {  	[sflag:s29] =	ssyncadd.s32 $0xFFFFE800  }
0x93: {  	[hbm4b:s5+s2] =	stream.linear.scatter [tilespmem:s13], [sflag:$0x5], $0x3200, $0x38;
	[tilespmem:$0x12C00] =	vst v63  }
0x94: {  	_ =	swait.ge [sflag:s11], $0x3200  }
0x95: {  	[sflag:s11] =	ssyncset.done $0x0  }
0x96: {  	[sflag:s11] =	ssyncadd.s32 $0xFFFFCE00  }
0x97: {  	_ =	swait.ge [sflag:s30], $0x1A00  }
0x98: {  	[sflag:s30] =	ssyncset.done $0x0  }
0x99: {  	[sflag:s30] =	ssyncadd.s32 $0xFFFFE600  }
0x9a: {  	_ =	swait.ge [sflag:s30], $0x1800  }
0x9b: {  	[sflag:s30] =	ssyncset.done $0x0  }
0x9c: {  	[sflag:s30] =	ssyncadd.s32 $0xFFFFE800  }
0x9d: {  	[hbm4b:s6+s2] =	stream.linear.scatter [tilespmem:s17], [sflag:$0x5], $0x3200, $0x38;
	[tilespmem:$0x12C00] =	vst v63  }
0x9e: {  	_ =	swait.ge [sflag:s11], $0x3200  }
0x9f: {  	[sflag:s11] =	ssyncset.done $0x0  }
0xa0: {  	[sflag:s11] =	ssyncadd.s32 $0xFFFFCE00  }
0xa1: {  	_ =	swait.ge [sflag:s31], $0x1A00  }
0xa2: {  	[sflag:s31] =	ssyncset.done $0x0  }
0xa3: {  	[sflag:s31] =	ssyncadd.s32 $0xFFFFE600  }
0xa4: {  	_ =	swait.ge [sflag:s31], $0x1800  }
0xa5: {  	[sflag:s31] =	ssyncset.done $0x0  }
0xa6: {  	[sflag:s31] =	ssyncadd.s32 $0xFFFFE800  }
0xa7: {  	[hbm4b:s7+s2] =	stream.linear.scatter [tilespmem:s21], [sflag:$0x5], $0x3200, $0x38;
	[tilespmem:$0x12C00] =	vst v63  }
0xa8: {  	_ =	swait.ge [sflag:s11], $0x3200  }
0xa9: {  	[sflag:s11] =	ssyncset.done $0x0  }
0xaa: {  	[sflag:s11] =	ssyncadd.s32 $0xFFFFCE00  }
0xab: {  	_ =	swait.ge [sflag:s1], $0x1A00  }
0xac: {  	[sflag:s1] =	ssyncset.done $0x0  }
0xad: {  	[sflag:s1] =	ssyncadd.s32 $0xFFFFE600  }
0xae: {  	s0 =	sadd.s32 $0x1, s0;
	_ =	swait.ge [sflag:s1], $0x1800  }
0xaf: {  	p0 =	sne.s32 s0, s9;
	[sflag:s1] =	ssyncset.done $0x0  }
.Ltmp1:
0xb0: {  	[sflag:s1] =	ssyncadd.s32 $0xFFFFE800;
	(pc) =	sbr.rel @p0 .LBB2_1-.Ltmp1, $4  }
0xb1: {  	[hbm4b:s8+s2] =	stream.linear.scatter [tilespmem:s25], [sflag:$0x5], $0x3200, $0x38;
	[tilespmem:$0x12C00] =	vst v63  }
0xb2: {  	_ =	swait.ge [sflag:s11], $0x3200  }
0xb3: {  	[sflag:s11] =	ssyncset.done $0x0  }
0xb4: {  	[sflag:s11] =	ssyncadd.s32 $0xFFFFCE00  }
0xb5: {  	_ =	sfence.sel $0x180000  }
0xb6: {  	[bflag:$0x0] =	sbarrier.arrive $0xFFFF  }
0xb7: {  	_ =	strace $0x9000004A  }
0xb8: {  	s0 =	stileid.u32;
	[bflag:$0x2] =	sbarrier.arrive $0xFFFF  }
0xb9: {  	p0 =	sne.s32 s0, $0x0;
	s0 =	rddreg [dreg:$0x2]  }
0xba: {  	s0 =	sadd.s32 @!p0 $0x100000, s0  }
0xbb: {  	[sflag:s0] =	ssyncadd.tile.s32 @!p0 $0x1;
	_ =	shalt  }
.Lfunc_end2:
_tile_overlayer_lowered:
.L_overlay_start_2:
0xbc: {  	(tag) =	ssettag $0x2  }
0xbd: {  	s0 =	rddreg [dreg:$0x0];
	s2 =	stileid.u32  }
0xbe: {  	s1 =	rddreg [dreg:$0x1];
	p0 =	sne.s32 s2, $0x0  }
0xbf: {  	s3 =	rddreg [dreg:$0x2];
	[bflag:$0x3] =	sbarrier.arrive $0xFFFF;
	s2 =	simm.s32 @!p0 $0x1C05  }
0xc0: {  	[timem:s3], [sflag:s2] =	dma.local @!p0 [hbm:s0], s1  }
0xc1: {  	s0 =	simm.s32 @!p0 $0x5  }
0xc2: {  	_ =	swait.ge @!p0 [sflag:s0], s1  }
0xc3: {  	s1 =	ssub.s32 @!p0 $0x0, s1;
	[sflag:s0] =	ssyncset.done @!p0 $0x0  }
0xc4: {  	[sflag:s0] =	ssyncadd.s32 @!p0 s1  }
0xc5: {  	[bflag:$0x3] =	sbarrier.arrive $0xFFFF  }
0xc6: {  	_ =	shalt  }

// kernel: sparse-core-data-format-call.1.cloned.1.call-start
scs
called_computation.1_lowered:
.L_overlay_start_0:
0x0: {  	s2 =	sld [smem:$0x3FD9]  }
0x1: {  	s3 =	sld [smem:$0x3FFE];
	_ =	sdelay $0x1  }
0x2: {  	s1 =	srdreg.scid  }
0x3: {  	s0 =	sand.u32 $0x1, s1  }
0x4: {  	s18 =	sshll.u32 s0, $0xA;
	s2 =	sadd.s32 s3, s2  }
0x5: {  	s2 =	sadd.s32 s2, s18  }
0x6: {  	[smem:$0x3FC6] =	sst s2  }
0x7: {  	_ = 	snop  }
0x8: {  	s2 =	sld [smem:$0x3FC8];
	(tm) =	ssettm $0x1  }
0x9: {  	s19 =	sld [smem:$0x3FFB];
	_ =	sdelay $0x3  }
0xa: {  	_ =	strace s19  }
0xb: {  	s3 =	sld [smem:$0x3FFC];
	_ =	sdelay $0x3  }
0xc: {  	_ =	strace s3  }
0xd: {  	s3 =	sld [smem:$0x3FFD];
	_ =	sdelay $0x3  }
0xe: {  	_ =	strace s3  }
0xf: {  	_ =	strace $0x8FFFFFFF  }
0x10: {  	s20 =	sld [smem:$0x3FDB];
	_ =	sdelay $0x1  }
0x11: {  	s4 =	simm.s32 $_scs_section_size  }
0x12: {  	s5 =	simm.s32 $_size__tile_overlayer_lowered;
	s6 =	simm.s32 $_tile_overlayer_lowered  }
0x13: {  	s23 =	simm.s32 $0x1BFF;
	s22 =	sshll.u32 s6, $0x1;
	s3 =	sadd.s32 s4, s20  }
0x14: {  	s7 =	simm.s32 $0x0;
	s21 =	sshll.u32 s5, $0x1;
	s5 =	sadd.s32 s22, s3  }
0x15: {  	[timem:s7], [sflag:s23] =	dma.local [hbm:s5], s21  }
0x16: {  	_ =	swait.ge [sflag:s23], s21  }
0x17: {  	s4 =	ssub.s32 $0x0, s21;
	[sflag:s23] =	ssyncset.done $0x0  }
0x18: {  	[sflag:s23] =	ssyncadd.s32 s4;
	_ =	sdelay $0x1  }
0x19: {  	s24 =	simm.s32 $0x1B8B  }
0x1a: {  	_ =	swait.ge [sflag:s24], $0x1  }
0x1b: {  	[sflag:s24] =	ssyncset.done $0x0  }
0x1c: {  	s26 =	simm.s32 $0x1B8E;
	s25 =	sld [smem:$0x3FFE];
	[sflag:s24] =	ssyncadd.s32 $0xFFFFFFFF  }
0x1d: {  	s27 =	simm.s32 $execute0_lowered;
	[smem:$0x3FD2] =	sst s26  }
0x1e: {  	s5 =	sshll.u32 s27, $0x1;
	_ =	strace $0x80000046;
	[dreg:$0x1] =	wrdreg $0xFFFFFFFF  }
0x1f: {  	s28 =	simm.s32 $_size_execute0_lowered;
	s3 =	sadd.s32 s3, s5;
	[dreg:$0x0] =	wrdreg $0x0  }
0x20: {  	s5 =	sshll.u32 s28, $0x1;
	[dreg:$0x2] =	wrdreg s3  }
0x21: {  	[dreg:$0x3] =	wrdreg s5  }
0x22: {  	[dreg:$0x4] =	wrdreg $0xC0  }
0x23: {  	_ =	task [dreg:s7], $0x5FFFF  }
0x24: {  	[dreg:$0x1] =	wrdreg $0xFFFFFFFF  }
0x25: {  	[dreg:$0x0] =	wrdreg $0x60  }
0x26: {  	[dreg:$0x2] =	wrdreg s2  }
0x27: {  	[dreg:$0x3] =	wrdreg s25  }
0x28: {  	[dreg:$0x4] =	wrdreg $0x9  }
0x29: {  	_ =	task.clear_ibuf [dreg:s7], $0x5FFFF;
	_ =	strace $0x90000046  }
0x2a: {  	s29 =	simm.s32 $0x9;
	_ =	strace $0x80000048  }
0x2b: {  	_ =	swait.ge [sflag:s29], $0x1  }
0x2c: {  	[sflag:s29] =	ssyncadd.s32 $0xFFFFFFFF  }
0x2d: {  	_ =	strace $0x90000048  }
0x2e: {  	_ =	sfence  }
0x2f: {  	s30 =	sld [smem:$0x0];
	_ =	sdelay $0x2  }
0x30: {  	s31 =	sshll.u32 s1, $0xD;
	s1 =	sshrl.u32 s1, $0x2  }
0x31: {  	s3 =	sand.u32 $0x4000, s31;
	s1 =	sadd.s32 s1, s30  }
0x32: {  	s0 =	sor.u32 s3, s0;
	s1 =	sshll.u32 s1, $0x11  }
0x33: {  	s0 =	sor.u32 s1, s0  }
0x34: {  	s0 =	sadd.s32 $0x8F2B, s0  }
0x35: {  	[sflag:s0] =	ssyncadd.remote.s32 $0x1  }
0x36: {  	_ =	sfence.sel $0xFFFF  }
0x37: {  	[dreg:$0x0] =	wrdreg $0xFFFFFFFF;
	(pc) =	sbr.abs _section_cstart, $3  }
0x38: {  	[dreg:$0x1] =	wrdreg $0xFFFFFFFF  }
0x39: {  	_ =	task.clear_ibuf [dreg:s7], $0x2FFFF;
	_ =	strace $0x9FFFFFFF  }
0x3a: {  	(tm) =	ssettm $0x7FFFFFFF  }
0x3b: {  	_ =	shalt  }
tec
execute0_lowered:
.L_overlay_start_1:
0x0: {  	(tag) =	ssettag $0x1  }
0x1: {  	s0 =	srdreg.scid;
	s2 =	rddreg [dreg:$0x0]  }
0x2: {  	s5 =	rddreg [dreg:$0x1];
	s1 =	stileid.u32  }
0x3: {  	s4 =	simm.s32 $0x1;
	s6 =	simm.s32 $0x2;
	s15 =	simm.s32 $0x0  }
0x4: {  	p0 =	por $0x0, $0x0;
	s8 =	simm.s32 $0x80;
	s0 =	sshll.u32 s0, $0x4  }
0x5: {  	s14 =	simm.s32 $0x0;
	s9 =	simm.s32 $0x0;
	s3 =	sand.u32 $0x10, s0  }
.Ltmp0:
0x6: {  	s10 =	simm.s32 $0x0;
	s3 =	sor.u32 s1, s3;
	(pc) =	sbr.rel .LBB1_1-.Ltmp0, $4  }
0x7: {  	s0 =	rddreg [dreg:$0x2];
	_ =	strace $0x80000047;
	s3 =	sshll.u32 s3, $0x7  }
0x8: {  	s12 =	simm.s32 $0x0;
	[sflag:s4] =	ssyncpa.u1 $0x0;
	s7 =	ssub.s32 $0xF4200, s3  }
0x9: {  	s13 =	simm.s32 $0x0;
	[sflag:s6] =	ssyncpa.u1 $0x0;
	s6 =	sshrl.u32 s7, $0xC  }
0xa: {  	s5 =	sadd.s32 $0xE00, s5;
	s11 =	smov.u32 s3;
	s7 =	sadd.s32 $0x2, s6  }
.LBB1_5:
0xb: {  	p1 =	slt.u32 s13, $0x2  }
0xc: {  	s17 =	smov.u32 s15;
	p2 =	sgt.s32 @!p1 s15, $0xF41C0;
	s16 =	sshra.s32 @!p1 s15, $0x1F  }
0xd: {  	p3 =	sgt.s32 @!p1 s14, $0x40;
	s18 =	sshra.s32 @!p1 s14, $0x1F;
	p2 =	por !p2, p1  }
0xe: {  	s15 =	sand.u32 @!p1 s16, s15;
	p3 =	por !p3, p1;
	s16 =	smov.u32 s14  }
0xf: {  	s14 =	sand.u32 @!p1 s18, s14;
	s17 =	simm.s32 @p2 $0xF41C0;
	s16 =	simm.s32 @p3 $0x40  }
0x10: {  	s15 =	ssub.s32 @!p1 s17, s15;
	s14 =	ssub.s32 @!p1 s16, s14  }
0x11: {  	s18 =	smov.u32 s12;
	s16 =	sadd.s32 @!p1 $0xFFF0BE40, s15;
	s17 =	sadd.s32 @!p1 $0xFFFFFFC0, s14  }
0x12: {  	s15 =	ssub.s32 @!p1 $0xF4240, s15;
	p2 =	sgt.s32 @!p1 s16, $0x7F;
	p3 =	sgt.s32 @!p1 s17, $0x3F  }
0x13: {  	s14 =	ssub.s32 @!p1 $0x80, s14;
	p2 =	por !p2, p1;
	p3 =	por !p3, p1  }
0x14: {  	s16 =	sadd.s32 $0x1000, s11;
	s15 =	simm.s32 @!p2 $0x0;
	s14 =	simm.s32 @!p3 $0x0  }
0x15: {  	p2 =	sgt.s32 s16, $0xF423F;
	s14 =	smul.u32 @!p1 s14, s15;
	s15 =	sadd.s32 $0x40, s12  }
0x16: {  	s18 =	smov.u32 @p2 s15  }
0x17: {  	s16 =	smov.u32 @p2 s3;
	p2 =	sgt.s32 s18, $0x3F  }
0x18: {  	s18 =	simm.s32 @p2 $0x0;
	p2 =	sne.s32 s13, s7  }
.Ltmp1:
0x19: {  	p0 =	por !p0, !p0;
	s17 =	simm.s32 @!p1 $0x2;
	(pc) =	sbr.rel @!p2 .LBB1_6-.Ltmp1, $4  }
0x1a: {  	s15 =	smov.u32 s9;
	s9 =	smov.u32 s11;
	s14 =	sand.u32 @!p1 $0x3FFFFFFF, s14  }
0x1b: {  	s11 =	smov.u32 s16;
	_ =	swait.ge @!p1 [sflag:s17], s14;
	s19 =	ssub.s32 @!p1 $0x0, s14  }
0x1c: {  	s14 =	smov.u32 s10;
	s13 =	sadd.s32 $0x1, s13;
	[sflag:s17] =	ssyncset.done @!p1 $0x0  }
0x1d: {  	s10 =	smov.u32 s12;
	s12 =	smov.u32 s18;
	[sflag:s17] =	ssyncadd.s32 @!p1 s19  }
.LBB1_1:
0x1e: {  	p1 =	sgt.u32 s13, s6  }
0x1f: {  	s16 =	sshrl.u32 @!p1 s12, $0x3  }
0x20: {  	s17 =	sshll.u32 @!p1 s11, $0x3;
	s16 =	smul.u32 @!p1 $0x7A1400, s16  }
0x21: {  	s18 =	sshll.u32 @!p1 s12, $0x7;
	s17 =	sand.u32 @!p1 $0xFFFFFC00, s17  }
0x22: {  	s16 =	sadd.s32 @!p1 s16, s17;
	s17 =	sand.u32 @!p1 $0x380, s18  }
0x23: {  	s18 =	sand.u32 @!p1 $0x7F, s11;
	s16 =	sor.u32 @!p1 s17, s16  }
0x24: {  	s17 =	sor.u32 @!p1 s18, s16  }
0x25: {  	s18 =	smulhi.u32 @!p1 $0x218D6287, s17;
	_ =	sdelay $0x1  }
0x26: {  	s16 =	smulhi.u32 @!p1 $0x218D6287, s16;
	s18 =	sshrl.u32 @!p1 s18, $0x11  }
0x27: {  	s18 =	smul.u32 @!p1 $0xF4280, s18  }
0x28: {  	s19 =	sxor.u32 @!p1 $0xFFFFFFFF, s13;
	s16 =	sshrl.u32 @!p1 s16, $0x11  }
0x29: {  	s19 =	sshll.u32 @!p1 s19, $0xD;
	s16 =	sand.u32 @!p1 $0x3F, s16;
	s17 =	ssub.s32 @!p1 s17, s18  }
0x2a: {  	s16 =	smul.u32 @!p1 $0x1E850, s16;
	s18 =	sshrl.u32 @!p1 s17, $0x3;
	s17 =	sand.u32 @!p1 $0x7, s17  }
0x2b: {  	s19 =	sand.u32 @!p1 $0x2000, s19;
	s18 =	sadd.s32 @!p1 s2, s18;
	s17 =	sshll.u32 @!p1 s17, $0x12  }
0x2c: {  	s16 =	sadd.s32 @!p1 s16, s18;
	s17 =	sor.u32 @!p1 $0x400, s17;
	s18 =	simm.s32 @!p1 $0x7A1400  }
0x2d: {  	[tilespmem:s19], [sflag:$0x1] =	stream.strided.gather @!p1 [hbm4b:s16+s17], $0x2000, s18, s17, $0x38;
	[tilespmem:$0x8100] =	vst v63  }
0x2e: {  	p1 =	seq.s32 s13, $0x0  }
0x2f: {  	p2 =	sge.u32 @!p1 s13, s7  }
0x30: {  	p1 =	por p1, p2  }
.Ltmp2:
0x31: {  	_ = 	snop;
	(pc) =	sbr.rel @p1 .LBB1_5-.Ltmp2, $1  }
0x32: {  	_ =	sdelay $0x3  }
0x33: {  	s16 =	simm.s32 $0x1  }
0x34: {  	_ =	swait.ge [sflag:s4], $0x2000;
	s16 =	simm.s32 @!p0 $0x0  }
0x35: {  	[sflag:s4] =	ssyncset.done $0x0;
	s17 =	sshll.u32 s16, $0xD  }
0x36: {  	[sflag:s4] =	ssyncadd.s32 $0xFFFFE000;
	s17 =	sor.u32 $0x40, s17  }
0x37: {  	s16 =	smul.u32 $0x8200, s16;
	v0 =	vld [tilespmem:s17+$0x30]  }
0x38: {  	v1 =	vld [tilespmem:s17+$0xFFFFFFD0]  }
0x39: {  	s16 =	sshrl.u32 s16, $0x2;
	v5 =	vld [tilespmem:s17+$0xFFFFFFE0]  }
0x3a: {  	v6 =	vld [tilespmem:s17+$0xFFFFFFF0];
	s19 =	sor.u32 $0x4000, s16  }
0x3b: {  	s31 =	sand.u32 $0x1, s13;
	v4 =	vld [tilespmem:s17+$0x0];
	s18 =	sadd.s32 $0x0, s19  }
0x3c: {  	v3 =	vld [tilespmem:s17+$0x10];
	s16 =	smul.u32 $0x8200, s31;
	[tilespmem:s18+$0x1C70 ss:$0x41] =	vst.msk $0xffff, v0  }
0x3d: {  	v2 =	vld [tilespmem:s17+$0x20];
	[tilespmem:s18+$0x410 ss:$0x41] =	vst.msk $0xffff, v1  }
0x3e: {  	s16 =	sshrl.u32 s16, $0x2;
	v1 =	vld [tilespmem:s17+$0xFFFFFFC0];
	[tilespmem:s18+$0x820 ss:$0x41] =	vst.msk $0xffff, v5;
	s17 =	sadd.s32 $0x80, s17  }
0x3f: {  	s20 =	simm.s32 $0x4;
	s21 =	simm.s32 $0x8;
	s16 =	sor.u32 $0x4000, s16;
	[tilespmem:s18+$0xC30 ss:$0x41] =	vst.msk $0xffff, v6;
	v0 =	vld [tilespmem:s17+$0x30]  }
.LBB1_3:
0x40: {  	p1 =	sne.s32 s21, $0xFC;
	v5 =	vld [tilespmem:s17+$0xFFFFFFD0];
	[tilespmem:s18+$0x1040 ss:$0x41] =	vst.msk $0xffff, v4  }
0x41: {  	v6 =	vld [tilespmem:s17+$0xFFFFFFE0];
	[tilespmem:s18+$0x1450 ss:$0x41] =	vst.msk $0xffff, v3  }
0x42: {  	s22 =	sshra.s32 s20, $0x2;
	s20 =	smov.u32 s21;
	v7 =	vld [tilespmem:s17+$0xFFFFFFF0];
	[tilespmem:s18+$0x1860 ss:$0x41] =	vst.msk $0xffff, v2  }
.Ltmp3:
0x43: {  	v4 =	vld [tilespmem:s17+$0x0];
	[tilespmem:s18+$0x0 ss:$0x41] =	vst.msk $0xffff, v1;
	s18 =	sadd.s32 s22, s19;
	(pc) =	sbr.rel @p1 .LBB1_3-.Ltmp3, $4  }
0x44: {  	v3 =	vld [tilespmem:s17+$0x10];
	[tilespmem:s18+$0x1C70 ss:$0x41] =	vst.msk $0xffff, v0  }
0x45: {  	[tilespmem:s18+$0x410 ss:$0x41] =	vst.msk $0xffff, v5;
	v2 =	vld [tilespmem:s17+$0x20]  }
0x46: {  	v1 =	vld [tilespmem:s17+$0xFFFFFFC0];
	[tilespmem:s18+$0x820 ss:$0x41] =	vst.msk $0xffff, v6;
	s17 =	sadd.s32 $0x80, s17  }
0x47: {  	s21 =	sadd.s32 $0x4, s21;
	v0 =	vld [tilespmem:s17+$0x30];
	[tilespmem:s18+$0xC30 ss:$0x41] =	vst.msk $0xffff, v7  }
0x48: {  	s21 =	sshll.u32 s9, $0x7;
	s22 =	sshll.u32 s10, $0x3;
	s20 =	sshra.s32 s20, $0x2  }
0x49: {  	p1 =	sgt.s32 s9, $0xF41C0;
	s30 =	sshra.s32 s9, $0x1F;
	s25 =	sshra.s32 s10, $0x1F  }
0x4a: {  	v5 =	vld [tilespmem:s17+$0xFFFFFFD0];
	s28 =	sshrl.u32 s10, $0x3;
	s23 =	sand.u32 $0xFFFFFC00, s21;
	s22 =	sand.u32 $0xFFFFFC00, s22  }
0x4b: {  	[tilespmem:s18+$0x1040 ss:$0x41] =	vst.msk $0xffff, v4;
	v58 =	vld [tilespmem:s17+$0xFFFFFFE0];
	s21 =	sand.u32 $0x380, s21;
	s19 =	sadd.s32 s20, s19;
	s22 =	sadd.s32 s22, s23  }
0x4c: {  	v59 =	vld [tilespmem:s17+$0xFFFFFFF0];
	[tilespmem:s18+$0x1450 ss:$0x41] =	vst.msk $0xffff, v3;
	s29 =	sor.u32 s21, s22;
	s21 =	smov.u32 s9;
	s22 =	sand.u32 s30, s9  }
0x4d: {  	v60 =	vld [tilespmem:s17+$0x0];
	[tilespmem:s18+$0x1860 ss:$0x41] =	vst.msk $0xffff, v2;
	s30 =	sand.u32 $0x7, s10;
	s20 =	sshrl.u32 s29, $0x7;
	s21 =	simm.s32 @!p1 $0xF41C0  }
0x4e: {  	v61 =	vld [tilespmem:s17+$0x10];
	[tilespmem:s18+$0x0 ss:$0x41] =	vst.msk $0xffff, v1;
	p1 =	sgt.s32 s10, $0x40;
	s24 =	ssub.s32 s21, s22;
	s21 =	smov.u32 s10  }
0x4f: {  	v62 =	vld [tilespmem:s17+$0x20];
	[tilespmem:s19+$0x1C70 ss:$0x41] =	vst.msk $0xffff, v0;
	s31 =	smulhi.u32 $0x218DEF5, s20;
	s22 =	sand.u32 s25, s10;
	s21 =	simm.s32 @!p1 $0x40  }
0x50: {  	v63 =	vld [tilespmem:s17+$0xFFFFFFC0];
	[tilespmem:s19+$0x410 ss:$0x41] =	vst.msk $0xffff, v5;
	s26 =	sadd.s32 $0xFFF0BE40, s24;
	s17 =	ssub.s32 $0xF4240, s24;
	s21 =	ssub.s32 s21, s22  }
0x51: {  	[tilespmem:s19+$0x820 ss:$0x41] =	vst.msk $0xffff, v58;
	s23 =	sshrl.u32 s31, $0xD;
	p1 =	sgt.s32 s26, $0x7F;
	s27 =	sadd.s32 $0xFFFFFFC0, s21  }
0x52: {  	[tilespmem:s19+$0xC30 ss:$0x41] =	vst.msk $0xffff, v59;
	s23 =	smul.u32 $0xF4240, s23;
	s18 =	ssub.s32 $0x80, s21;
	p2 =	sgt.s32 s27, $0x3F  }
.Ltmp4:
0x53: {  	[tilespmem:s19+$0x1040 ss:$0x41] =	vst.msk $0xffff, v60;
	s17 =	simm.s32 @p1 $0x0;
	s18 =	simm.s32 @p2 $0x0;
	(pc) =	sbr.rel .LBB1_5-.Ltmp4, $4  }
0x54: {  	s29 =	sand.u32 $0xF, s28;
	[tilespmem:s19+$0x1450 ss:$0x41] =	vst.msk $0xffff, v61;
	s20 =	ssub.s32 s20, s23;
	s17 =	smul.u32 s18, s17  }
0x55: {  	[tilespmem:s19+$0x1860 ss:$0x41] =	vst.msk $0xffff, v62;
	s21 =	sshll.u32 s30, $0x12;
	s20 =	sshll.u32 s20, $0x4;
	s18 =	sadd.s32 s5, s29  }
0x56: {  	[tilespmem:s19+$0x0 ss:$0x41] =	vst.msk $0xffff, v63;
	s31 =	sor.u32 $0x40, s21;
	s18 =	sadd.s32 s20, s18;
	s17 =	sand.u32 $0x3FFFFFFF, s17  }
0x57: {  	[hbm4b:s18+s31] =	stream.strided.scatter [tilespmem:s16], [sflag:$0x2], s17, s8, s31, $0x18;
	[tilespmem:$0x8100] =	vst v63  }
.LBB1_6:
0x58: {  	_ =	sfence.sel $0x180000  }
0x59: {  	s2 =	simm.s32 $0x1;
	[bflag:$0x0] =	sbarrier.arrive $0xFFFF  }
0x5a: {  	s31 =	simm.s32 $0x2;
	[sflag:s2] =	ssyncpa.u1 $0x1  }
0x5b: {  	[sflag:s31] =	ssyncpa.u1 $0x1  }
0x5c: {  	p0 =	sne.s32 s1, $0x0;
	_ =	strace $0x90000047  }
0x5d: {  	s0 =	sadd.s32 @!p0 $0x100000, s0;
	[bflag:$0x2] =	sbarrier.arrive $0xFFFF  }
0x5e: {  	[sflag:s0] =	ssyncadd.tile.s32 @!p0 $0x1;
	_ =	shalt  }
.Lfunc_end1:
_tile_overlayer_lowered:
.L_overlay_start_2:
0x5f: {  	(tag) =	ssettag $0x2  }
0x60: {  	s0 =	rddreg [dreg:$0x0];
	s2 =	stileid.u32  }
0x61: {  	s1 =	rddreg [dreg:$0x1];
	p0 =	sne.s32 s2, $0x0  }
0x62: {  	s3 =	rddreg [dreg:$0x2];
	[bflag:$0x3] =	sbarrier.arrive $0xFFFF;
	s2 =	simm.s32 @!p0 $0x1C01  }
0x63: {  	[timem:s3], [sflag:s2] =	dma.local @!p0 [hbm:s0], s1  }
0x64: {  	s0 =	simm.s32 @!p0 $0x1  }
0x65: {  	_ =	swait.ge @!p0 [sflag:s0], s1  }
0x66: {  	s1 =	ssub.s32 @!p0 $0x0, s1;
	[sflag:s0] =	ssyncset.done @!p0 $0x0  }
0x67: {  	[sflag:s0] =	ssyncadd.s32 @!p0 s1  }
0x68: {  	[bflag:$0x3] =	sbarrier.arrive $0xFFFF  }
0x69: {  	_ =	shalt  }

// kernel: sparse-core-data-format-call.cloned.1.call-start
scs
called_computation_lowered:
.L_overlay_start_0:
0x0: {  	s2 =	sld [smem:$0x3FD9]  }
0x1: {  	s3 =	sld [smem:$0x3FFE];
	_ =	sdelay $0x1  }
0x2: {  	s1 =	srdreg.scid  }
0x3: {  	s0 =	sand.u32 $0x1, s1  }
0x4: {  	s18 =	sshll.u32 s0, $0xA;
	s2 =	sadd.s32 s3, s2  }
0x5: {  	s2 =	sadd.s32 s2, s18  }
0x6: {  	[smem:$0x3FC6] =	sst s2  }
0x7: {  	_ = 	snop  }
0x8: {  	s2 =	sld [smem:$0x3FD0];
	(tm) =	ssettm $0x1  }
0x9: {  	s19 =	sld [smem:$0x3FFB];
	_ =	sdelay $0x3  }
0xa: {  	_ =	strace s19  }
0xb: {  	s3 =	sld [smem:$0x3FFC];
	_ =	sdelay $0x3  }
0xc: {  	_ =	strace s3  }
0xd: {  	s3 =	sld [smem:$0x3FFD];
	_ =	sdelay $0x3  }
0xe: {  	_ =	strace s3  }
0xf: {  	_ =	strace $0x8FFFFFFF  }
0x10: {  	s20 =	sld [smem:$0x3FDB];
	_ =	sdelay $0x1  }
0x11: {  	s4 =	simm.s32 $_scs_section_size  }
0x12: {  	s5 =	simm.s32 $_size__tile_overlayer_lowered;
	s6 =	simm.s32 $_tile_overlayer_lowered  }
0x13: {  	s23 =	simm.s32 $0x1BFF;
	s22 =	sshll.u32 s6, $0x1;
	s3 =	sadd.s32 s4, s20  }
0x14: {  	s7 =	simm.s32 $0x0;
	s21 =	sshll.u32 s5, $0x1;
	s5 =	sadd.s32 s22, s3  }
0x15: {  	[timem:s7], [sflag:s23] =	dma.local [hbm:s5], s21  }
0x16: {  	_ =	swait.ge [sflag:s23], s21  }
0x17: {  	s4 =	ssub.s32 $0x0, s21;
	[sflag:s23] =	ssyncset.done $0x0  }
0x18: {  	[sflag:s23] =	ssyncadd.s32 s4;
	_ =	sdelay $0x1  }
0x19: {  	s24 =	simm.s32 $0x1B8B  }
0x1a: {  	_ =	swait.ge [sflag:s24], $0x1  }
0x1b: {  	[sflag:s24] =	ssyncset.done $0x0  }
0x1c: {  	s26 =	simm.s32 $0x1B8E;
	s25 =	sld [smem:$0x3FFE];
	[sflag:s24] =	ssyncadd.s32 $0xFFFFFFFF  }
0x1d: {  	s27 =	simm.s32 $execute0_lowered;
	[smem:$0x3FD2] =	sst s26  }
0x1e: {  	s5 =	sshll.u32 s27, $0x1;
	_ =	strace $0x8000004C;
	[dreg:$0x1] =	wrdreg $0xFFFFFFFF  }
0x1f: {  	s28 =	simm.s32 $_size_execute0_lowered;
	s3 =	sadd.s32 s3, s5;
	[dreg:$0x0] =	wrdreg $0x0  }
0x20: {  	s5 =	sshll.u32 s28, $0x1;
	[dreg:$0x2] =	wrdreg s3  }
0x21: {  	[dreg:$0x3] =	wrdreg s5  }
0x22: {  	[dreg:$0x4] =	wrdreg $0xC0  }
0x23: {  	_ =	task [dreg:s7], $0x5FFFF  }
0x24: {  	[dreg:$0x1] =	wrdreg $0xFFFFFFFF  }
0x25: {  	[dreg:$0x0] =	wrdreg $0x60  }
0x26: {  	[dreg:$0x2] =	wrdreg s25  }
0x27: {  	[dreg:$0x3] =	wrdreg s2  }
0x28: {  	[dreg:$0x4] =	wrdreg $0x9  }
0x29: {  	_ =	task.clear_ibuf [dreg:s7], $0x5FFFF;
	_ =	strace $0x9000004C  }
0x2a: {  	s29 =	simm.s32 $0x9;
	_ =	strace $0x8000004E  }
0x2b: {  	_ =	swait.ge [sflag:s29], $0x1  }
0x2c: {  	[sflag:s29] =	ssyncadd.s32 $0xFFFFFFFF  }
0x2d: {  	_ =	strace $0x9000004E  }
0x2e: {  	_ =	sfence  }
0x2f: {  	s30 =	sld [smem:$0x0];
	_ =	sdelay $0x2  }
0x30: {  	s31 =	sshll.u32 s1, $0xD;
	s1 =	sshrl.u32 s1, $0x2  }
0x31: {  	s3 =	sand.u32 $0x4000, s31;
	s1 =	sadd.s32 s1, s30  }
0x32: {  	s0 =	sor.u32 s3, s0;
	s1 =	sshll.u32 s1, $0x11  }
0x33: {  	s0 =	sor.u32 s1, s0  }
0x34: {  	s0 =	sadd.s32 $0x8F2B, s0  }
0x35: {  	[sflag:s0] =	ssyncadd.remote.s32 $0x1  }
0x36: {  	_ =	sfence.sel $0xFFFF  }
0x37: {  	[dreg:$0x0] =	wrdreg $0xFFFFFFFF;
	(pc) =	sbr.abs _section_cstart, $3  }
0x38: {  	[dreg:$0x1] =	wrdreg $0xFFFFFFFF  }
0x39: {  	_ =	task.clear_ibuf [dreg:s7], $0x2FFFF;
	_ =	strace $0x9FFFFFFF  }
0x3a: {  	(tm) =	ssettm $0x7FFFFFFF  }
0x3b: {  	_ =	shalt  }
tec
execute0_lowered:
.L_overlay_start_1:
0x0: {  	(tag) =	ssettag $0x1  }
0x1: {  	s0 =	srdreg.scid  }
0x2: {  	s1 =	sshll.u32 s0, $0x4  }
0x3: {  	s0 =	stileid.u32;
	s1 =	sand.u32 $0x10, s1  }
0x4: {  	s1 =	sor.u32 s0, s1  }
0x5: {  	s6 =	rddreg [dreg:$0x0];
	s4 =	simm.s32 $0x1;
	s2 =	sshll.u32 s1, $0x7  }
0x6: {  	s7 =	simm.s32 $0x2;
	s12 =	simm.s32 $0x0;
	s1 =	ssub.s32 $0x1000, s2  }
0x7: {  	s8 =	simm.s32 $0x8000;
	s13 =	simm.s32 $0x0;
	s3 =	sand.u32 $0xF80, s1  }
0x8: {  	s9 =	simm.s32 $0x0;
	s5 =	sshrl.u32 s1, $0xC;
	p0 =	sne.s32 s3, $0x0  }
.Ltmp0:
0x9: {  	s1 =	rddreg [dreg:$0x2];
	s4 =	simm.s32 @!p0 $0x0;
	(pc) =	sbr.rel .LBB1_1-.Ltmp0, $4  }
0xa: {  	s11 =	simm.s32 $0x0;
	s3 =	rddreg [dreg:$0x1];
	s5 =	sadd.s32 s4, s5  }
0xb: {  	_ =	strace $0x8000004D;
	s4 =	simm.s32 $0x1;
	s5 =	smul.u32 $0xC8, s5  }
0xc: {  	s6 =	sadd.s32 $0xE00, s6;
	s10 =	smov.u32 s2;
	[sflag:s4] =	ssyncpa.u1 $0x0  }
0xd: {  	p0 =	por $0x0, $0x0;
	[sflag:s7] =	ssyncpa.u1 $0x0;
	s7 =	sor.u32 $0x1, s5  }
.LBB1_4:
0xe: {  	s16 =	sshll.u32 s13, $0x3;
	s17 =	sand.u32 $0x78, s13  }
0xf: {  	s30 =	sand.u32 $0x7E00, s13;
	s12 =	sshll.u32 s12, $0xF;
	s16 =	sand.u32 $0xC00, s16  }
0x10: {  	[tilespmem:s15+$0x810 ss:$0x81] =	vst.msk $0xffff, v2;
	s31 =	sand.u32 $0x7, s13;
	s16 =	sor.u32 s17, s16;
	s17 =	sadd.s32 s3, s30  }
0x11: {  	[tilespmem:s15+$0x1020 ss:$0x81] =	vst.msk $0xffff, v0;
	s13 =	sshll.u32 s31, $0x12;
	s12 =	sadd.s32 s12, s17;
	s16 =	sshrl.u32 s16, $0x3  }
0x12: {  	[tilespmem:s15+$0x0 ss:$0x81] =	vst.msk $0xffff, v1;
	s13 =	sor.u32 $0x400, s13;
	s12 =	sadd.s32 s16, s12  }
0x13: {  	[hbm4b:s12+s13] =	stream.strided.scatter [tilespmem:s14], [sflag:$0x2], $0x2000, s8, s13, $0x20;
	[tilespmem:$0x8080] =	vst v63  }
.LBB1_5:
0x14: {  	s14 =	sadd.s32 $0x1, s9  }
0x15: {  	s12 =	sadd.s32 $0x1000, s10;
	s16 =	smov.u32 s10;
	p2 =	sgt.s32 s14, $0xC7  }
0x16: {  	s16 =	smov.u32 @p2 s12  }
0x17: {  	s14 =	simm.s32 @p2 $0x0;
	p2 =	sgt.s32 s16, $0xFFF  }
0x18: {  	s16 =	smov.u32 @p2 s2;
	p2 =	sne.s32 s11, s7  }
.Ltmp1:
0x19: {  	p1 =	slt.u32 s11, $0x2;
	(pc) =	sbr.rel @!p2 .LBB1_6-.Ltmp1, $4  }
0x1a: {  	s15 =	simm.s32 @!p1 $0x2  }
0x1b: {  	s13 =	smov.u32 s10;
	p0 =	por !p0, !p0;
	_ =	swait.ge @!p1 [sflag:s15], $0x2000  }
0x1c: {  	s12 =	smov.u32 s9;
	[sflag:s15] =	ssyncset.done @!p1 $0x0;
	s9 =	smov.u32 s14  }
0x1d: {  	s11 =	sadd.s32 $0x1, s11;
	[sflag:s15] =	ssyncadd.s32 @!p1 $0xFFFFE000;
	s10 =	smov.u32 s16  }
.LBB1_1:
0x1e: {  	p1 =	sge.u32 s11, s5  }
0x1f: {  	s14 =	sand.u32 @!p1 $0x1FFFFFF, s9  }
0x20: {  	s15 =	smulhi.u32 @!p1 $0x147AE15, s14;
	_ =	sdelay $0x1  }
0x21: {  	s15 =	smul.u32 @!p1 $0xC8, s15  }
0x22: {  	s16 =	sxor.u32 @!p1 $0xFFFFFFFF, s11;
	s17 =	smul.u32 @!p1 $0xC80, s10  }
0x23: {  	s31 =	sadd.s32 $0xFFFFFFFF, s11;
	s16 =	sshll.u32 @!p1 s16, $0xD;
	s14 =	ssub.s32 @!p1 s14, s15  }
0x24: {  	s15 =	sand.u32 @!p1 $0x2000, s16;
	s16 =	sadd.s32 @!p1 s6, s17;
	s14 =	sshll.u32 @!p1 s14, $0x4  }
0x25: {  	s17 =	simm.s32 @!p1 $0x6400;
	s14 =	sadd.s32 @!p1 s14, s16;
	s16 =	simm.s32 @!p1 $0x40  }
0x26: {  	[tilespmem:s15], [sflag:$0x1] =	stream.strided.gather @!p1 [hbm4b:s14+s16], $0x2000, s17, s16, $0x38;
	[tilespmem:$0x8080] =	vst v63  }
0x27: {  	p1 =	sge.u32 s31, s5  }
.Ltmp2:
0x28: {  	_ = 	snop;
	(pc) =	sbr.rel @p1 .LBB1_5-.Ltmp2, $1  }
0x29: {  	_ =	sdelay $0x3  }
0x2a: {  	s14 =	simm.s32 $0x1  }
0x2b: {  	_ =	swait.ge [sflag:s4], $0x2000;
	s14 =	simm.s32 @!p0 $0x0  }
0x2c: {  	[sflag:s4] =	ssyncset.done $0x0;
	s15 =	sshll.u32 s14, $0xD  }
0x2d: {  	[sflag:s4] =	ssyncadd.s32 $0xFFFFE000;
	s18 =	sor.u32 $0x20, s15  }
0x2e: {  	s14 =	smul.u32 $0x8100, s14;
	v3 =	vld [tilespmem:s18+$0x10]  }
0x2f: {  	s30 =	sand.u32 $0x1, s11;
	v2 =	vld [tilespmem:s18+$0xFFFFFFF0]  }
0x30: {  	s15 =	smul.u32 $0x8100, s30;
	s14 =	sshrl.u32 s14, $0x2;
	v0 =	vld [tilespmem:s18+$0x0]  }
0x31: {  	v1 =	vld [tilespmem:s18+$0xFFFFFFE0];
	s16 =	sor.u32 $0x4000, s14  }
0x32: {  	s31 =	sshrl.u32 s15, $0x2;
	s15 =	sadd.s32 $0x0, s16  }
0x33: {  	s17 =	simm.s32 $0x4;
	s18 =	sadd.s32 $0x40, s18;
	s14 =	sor.u32 $0x4000, s31;
	[tilespmem:s15+$0x1830 ss:$0x81] =	vst.msk $0xffff, v3  }
.LBB1_3:
0x34: {  	v3 =	vld [tilespmem:s18+$0x10];
	p1 =	sne.s32 s17, $0x1FC;
	[tilespmem:s15+$0x810 ss:$0x81] =	vst.msk $0xffff, v2;
	s19 =	smov.u32 s17;
	s17 =	sadd.s32 $0x4, s17  }
.Ltmp3:
0x35: {  	v2 =	vld [tilespmem:s18+$0xFFFFFFF0];
	[tilespmem:s15+$0x1020 ss:$0x81] =	vst.msk $0xffff, v0;
	(pc) =	sbr.rel @p1 .LBB1_3-.Ltmp3, $4  }
0x36: {  	v0 =	vld [tilespmem:s18+$0x0];
	[tilespmem:s15+$0x0 ss:$0x81] =	vst.msk $0xffff, v1  }
0x37: {  	s15 =	sshra.s32 s19, $0x2;
	v1 =	vld [tilespmem:s18+$0xFFFFFFE0]  }
0x38: {  	s15 =	sadd.s32 s15, s16  }
0x39: {  	s18 =	sadd.s32 $0x40, s18;
	[tilespmem:s15+$0x1830 ss:$0x81] =	vst.msk $0xffff, v3  }
.Ltmp4:
0x3a: {  	_ = 	snop;
	(pc) =	sbr.rel .LBB1_4-.Ltmp4, $1  }
0x3b: {  	_ =	sdelay $0x3  }
.LBB1_6:
0x3c: {  	_ =	sfence.sel $0x180000  }
0x3d: {  	s2 =	simm.s32 $0x1;
	[bflag:$0x0] =	sbarrier.arrive $0xFFFF  }
0x3e: {  	s31 =	simm.s32 $0x2;
	[sflag:s2] =	ssyncpa.u1 $0x1  }
0x3f: {  	[sflag:s31] =	ssyncpa.u1 $0x1  }
0x40: {  	p0 =	sne.s32 s0, $0x0;
	_ =	strace $0x9000004D  }
0x41: {  	s0 =	sadd.s32 @!p0 $0x100000, s1;
	[bflag:$0x2] =	sbarrier.arrive $0xFFFF  }
0x42: {  	[sflag:s0] =	ssyncadd.tile.s32 @!p0 $0x1;
	_ =	shalt  }
.Lfunc_end1:
_tile_overlayer_lowered:
.L_overlay_start_2:
0x43: {  	(tag) =	ssettag $0x2  }
0x44: {  	s0 =	rddreg [dreg:$0x0];
	s2 =	stileid.u32  }
0x45: {  	s1 =	rddreg [dreg:$0x1];
	p0 =	sne.s32 s2, $0x0  }
0x46: {  	s3 =	rddreg [dreg:$0x2];
	[bflag:$0x3] =	sbarrier.arrive $0xFFFF;
	s2 =	simm.s32 @!p0 $0x1C01  }
0x47: {  	[timem:s3], [sflag:s2] =	dma.local @!p0 [hbm:s0], s1  }
0x48: {  	s0 =	simm.s32 @!p0 $0x1  }
0x49: {  	_ =	swait.ge @!p0 [sflag:s0], s1  }
0x4a: {  	s1 =	ssub.s32 @!p0 $0x0, s1;
	[sflag:s0] =	ssyncset.done @!p0 $0x0  }
0x4b: {  	[sflag:s0] =	ssyncadd.s32 @!p0 s1  }
0x4c: {  	[bflag:$0x3] =	sbarrier.arrive $0xFFFF  }
0x4d: {  	_ =	shalt  }

</sc_bundles>
